<compile_context>
chip_gen: v7x
topology: tpu7x:2x2x1
jax: 0.10.2.dev20260603
libtpu: 0.0.44.dev20260713+nightly
codegen_flags: <defaults>
</compile_context>

<pallas_src>
import functools

import jax
import jax.numpy as jnp
from jax import lax
from jax.experimental import pallas as pl
from jax.experimental.pallas import tpu as pltpu
from jax.experimental.pallas import tpu_sc as plsc

N_NODES = 10000
N_EDGES = 160000
D_IN = 256
H = 128
NC = 2
NS = 16
L = 16
CHUNK = 128
DEPTH = 2
EDGES_PER_TILE = 10240
EPAD = NS * EDGES_PER_TILE
NCHUNK = EDGES_PER_TILE // CHUNK
ROWS_PER_TILE = 640
NPAD = NS * ROWS_PER_TILE


def _sc_aggregate(features, idxpk, zrows, zhist):
    mesh = plsc.VectorSubcoreMesh(
        core_axis_name="c", subcore_axis_name="s", num_cores=NC, num_subcores=NS
    )

    @functools.partial(
        pl.kernel,
        out_type=[
            jax.ShapeDtypeStruct((NC * NPAD, H), jnp.float32),
            jax.ShapeDtypeStruct((NS, NPAD), jnp.float32),
        ],
        mesh=mesh,
        compiler_params=pltpu.CompilerParams(needs_layout_passes=False),
        scratch_types=(
            [pltpu.VMEM((2, CHUNK), jnp.int32) for _ in range(DEPTH)]
            + [pltpu.VMEM((CHUNK, H), jnp.float32) for _ in range(DEPTH)]
            + [
                pltpu.VMEM((NPAD,), jnp.float32),
                pltpu.VMEM_SHARED((NPAD, H), jnp.float32),
            ]
            + [pltpu.SemaphoreType.DMA for _ in range(2 * DEPTH)]
        ),
    )
    def body(feat_hbm, idx_hbm, z_hbm, zh_hbm, agg_hbm, deg_hbm, *refs):
        ibufs = refs[0:DEPTH]
        rowss = refs[DEPTH:2 * DEPTH]
        hist = refs[2 * DEPTH]
        acc = refs[2 * DEPTH + 1]
        isems = refs[2 * DEPTH + 2:2 * DEPTH + 2 + DEPTH]
        gsems = refs[2 * DEPTH + 2 + DEPTH:]
        c = lax.axis_index("c")
        s = lax.axis_index("s")
        colb = pl.multiple_of(c * H, H)
        pltpu.sync_copy(z_hbm, acc.at[pl.ds(s * ROWS_PER_TILE, ROWS_PER_TILE)])
        pltpu.sync_copy(zh_hbm, hist)
        plsc.subcore_barrier()

        def idx_load(k, slot):
            return pltpu.async_copy(idx_hbm.at[s, k], ibufs[slot], isems[slot])

        def idx_wait(k, slot):
            pltpu.make_async_copy(idx_hbm.at[s, k], ibufs[slot],
                                  isems[slot]).wait()

        def gather(slot):
            return pltpu.async_copy(
                feat_hbm.at[ibufs[slot].at[0], pl.ds(colb, H)], rowss[slot],
                gsems[slot])

        def gather_wait(slot):
            pltpu.make_async_copy(
                feat_hbm.at[ibufs[slot].at[0], pl.ds(colb, H)], rowss[slot],
                gsems[slot]).wait()

        for i in range(DEPTH):
            idx_load(i, i)
        for i in range(DEPTH - 1):
            idx_wait(i, i)
            gather(i)

        def group(m, _):
            for b in range(DEPTH):
                k = m * DEPTH + b
                lead = (b + DEPTH - 1) % DEPTH
                @pl.when(k + DEPTH - 1 < NCHUNK)
                def _():
                    idx_wait(k + DEPTH - 1, lead)
                    gather(lead)
                for j in range(CHUNK // L):
                    d = ibufs[b][1, pl.ds(j * L, L)]
                    cnt, last = plsc.scan_count(d)
                    plsc.addupdate_scatter(hist, [d], cnt.astype(jnp.float32),
                                           mask=last)
                gather_wait(b)
                pltpu.sync_copy(rowss[b], acc.at[ibufs[b].at[1]], add=True)
                @pl.when(k + DEPTH < NCHUNK)
                def _():
                    idx_load(k + DEPTH, b)
            return 0

        lax.fori_loop(0, NCHUNK // DEPTH, group, 0)
        plsc.subcore_barrier()
        pltpu.sync_copy(
            acc.at[pl.ds(s * ROWS_PER_TILE, ROWS_PER_TILE)],
            agg_hbm.at[pl.ds(c * NPAD + s * ROWS_PER_TILE, ROWS_PER_TILE)],
        )
        @pl.when(c == 0)
        def _():
            pltpu.sync_copy(hist, deg_hbm.at[s])

    return body(features, idxpk, zrows, zhist)


BR = ROWS_PER_TILE


def _tc_body(aggA, aggB, degp, feat, w0, w1, b, out):
    deg = jnp.sum(degp[...], axis=0)[:, None]
    scale = 1.0 / jnp.maximum(deg, 1.0)
    h = jnp.dot(aggA[...] * scale, w0[...], preferred_element_type=jnp.float32)
    h = h + jnp.dot(aggB[...] * scale, w1[...], preferred_element_type=jnp.float32)
    out[...] = jnp.maximum(h + b[...] + feat[...], 0.0)


def _tc_finish(agg, deg_parts, features, W, b):
    grid = (NPAD // BR,)
    return pl.pallas_call(
        _tc_body,
        grid=grid,
        in_specs=[
            pl.BlockSpec((BR, H), lambda i: (i, 0)),
            pl.BlockSpec((BR, H), lambda i: (i + NPAD // BR, 0)),
            pl.BlockSpec((NS, BR), lambda i: (0, i)),
            pl.BlockSpec((BR, D_IN), lambda i: (i, 0)),
            pl.BlockSpec((H, D_IN), lambda i: (0, 0)),
            pl.BlockSpec((H, D_IN), lambda i: (0, 0)),
            pl.BlockSpec((1, D_IN), lambda i: (0, 0)),
        ],
        out_specs=pl.BlockSpec((BR, D_IN), lambda i: (i, 0)),
        out_shape=jax.ShapeDtypeStruct((N_NODES, D_IN), jnp.float32),
    )(agg, agg, deg_parts, features, W[:H], W[H:], b.reshape(1, D_IN))


def kernel(features, edges, W, b):
    src = edges[0].astype(jnp.int32)
    dst = edges[1].astype(jnp.int32)
    pad = EPAD - N_EDGES
    srcp = jnp.concatenate([src, jnp.zeros((pad,), jnp.int32)])
    dstp = jnp.concatenate([dst, jnp.full((pad,), N_NODES, jnp.int32)])
    idxpk = jnp.stack(
        [srcp.reshape(NS, NCHUNK, CHUNK), dstp.reshape(NS, NCHUNK, CHUNK)],
        axis=2,
    )
    zrows = jnp.zeros((ROWS_PER_TILE, H), jnp.float32)
    zhist = jnp.zeros((NPAD,), jnp.float32)
    agg, deg_parts = _sc_aggregate(features, idxpk, zrows, zhist)
    return _tc_finish(agg, deg_parts, features, W, b)

# --- scband reference (transcript-rebuilt; emitter-appended) ---
"""Pipeline reference for scband-features2-features-simple-residual-83330955477058 (READ-ONLY COPY).

The authoritative reference and input builder live on the scoring server;
editing this copy changes nothing except your own understanding.
"""

import jax, jax.numpy as jnp
import numpy as np

N_NODES = 10000
N_EDGES = 160000
D_IN = 256
D_OUT = 256


def setup_inputs(seed: int = 0) -> dict:
    key = jax.random.key(seed)
    k1, k2, k3, k4 = jax.random.split(key, 4)
    features = jax.random.normal(k1, (N_NODES, D_IN), dtype=jnp.float32)
    edges = jax.random.randint(k2, (2, N_EDGES), 0, N_NODES, dtype=jnp.int64)
    # GraphConv learned parameters (nn.Linear(in_features, out_features))
    limit = 1.0 / np.sqrt(D_IN)
    W = jax.random.uniform(k3, (D_IN, D_OUT), dtype=jnp.float32, minval=-limit, maxval=limit)
    b = jax.random.uniform(k4, (D_OUT,), dtype=jnp.float32, minval=-limit, maxval=limit)
    return {"features": features, "edges": edges, "W": W, "b": b}


def reference(features, edges, W, b):
    # GraphConv: mean-aggregate neighbor features along edges (src -> dst),
    # then linear transform. weighted_edges=False, batch_norm=False (IdLayer).
    src = edges[0]
    dst = edges[1]
    msgs = jnp.take(features, src, axis=0)                       # gather [E, D_IN]
    agg = jax.ops.segment_sum(msgs, dst, num_segments=N_NODES)   # scatter-add [N, D_IN]
    deg = jax.ops.segment_sum(jnp.ones((msgs.shape[0],), dtype=features.dtype), dst,
                              num_segments=N_NODES)
    agg = agg / jnp.clip(deg, 1.0)[:, None]                      # mean aggregation
    h = agg @ W + b                                              # linear [N, D_OUT]
    # in_features == out_features -> residual is identity (no F.interpolate path)
    res = features
    return jax.nn.relu(h + res)

if __name__ == "__main__":
    import jax
    _d = setup_inputs()
    print(jax.jit(kernel)(*tuple(_d.values())))

</pallas_src>

<mosaic_0001>
#map = affine_map<(d0, d1) -> (0, 0)>
#map1 = affine_map<(d0, d1) -> (0, 0, 0, 0)>
#map2 = affine_map<(d0, d1) -> (0)>
module attributes {stable_mosaic.version = 14 : i64} {
  func.func @body(%arg0: i32, %arg1: i32, %arg2: memref<10000x256xf32, #tpu.memory_space<hbm>>, %arg3: memref<16x80x2x128xi32, #tpu.memory_space<hbm>>, %arg4: memref<640x128xf32, #tpu.memory_space<hbm>>, %arg5: memref<10240xf32, #tpu.memory_space<hbm>>, %arg6: memref<20480x128xf32, #tpu.memory_space<hbm>>, %arg7: memref<16x10240xf32, #tpu.memory_space<hbm>>, %arg8: memref<2x128xi32, #tpu.memory_space<vmem>>, %arg9: memref<2x128xi32, #tpu.memory_space<vmem>>, %arg10: memref<128x128xf32, #tpu.memory_space<vmem>>, %arg11: memref<128x128xf32, #tpu.memory_space<vmem>>, %arg12: memref<10240xf32, #tpu.memory_space<vmem>>, %arg13: memref<10240x128xf32, #tpu.memory_space<vmem_shared>>, %arg14: memref<!tpu.dma_semaphore, #tpu.memory_space<semaphore_mem>>, %arg15: memref<!tpu.dma_semaphore, #tpu.memory_space<semaphore_mem>>, %arg16: memref<!tpu.dma_semaphore, #tpu.memory_space<semaphore_mem>>, %arg17: memref<!tpu.dma_semaphore, #tpu.memory_space<semaphore_mem>>) attributes {dimension_semantics = [#tpu.dimension_semantics<core_parallel>, #tpu.dimension_semantics<subcore_parallel>], iteration_bounds = array<i64: 2, 16>, scalar_prefetch = 0 : i64, scratch_operands = 10 : i64, tpu.core_type = #tpu.core_type<sc_vector_subcore>, window_params = [{transform_indices = #map}, {transform_indices = #map1}, {transform_indices = #map}, {transform_indices = #map2}, {transform_indices = #map}, {transform_indices = #map}]} {
    %mul3A = arith.constant 128 : i32
    %mul3A_0 = arith.muli %arg0, %mul3A : i32
    %multiple_of3A = tpu.assume_multiple %mul3A_0, 128 : i32
    %mul3A_1 = arith.constant 640 : i32
    %mul3A_2 = arith.muli %arg1, %mul3A_1 : i32
    "tpu.region"() ({
      %run_scoped3A = tpu.sem_alloc : memref<!tpu.dma_semaphore, #tpu.memory_space<semaphore_mem>>
      %dma_start3A_49 = arith.constant 0 : i32
      %dma_start3A_50 = tpu.memref_slice %arg13[%mul3A_2, %dma_start3A_49] : memref<10240x128xf32, #tpu.memory_space<vmem_shared>> -> memref<640x128xf32, #tpu.memory_space<vmem_shared>>
      tpu.enqueue_dma source(%arg4 : memref<640x128xf32, #tpu.memory_space<hbm>>) target(%dma_start3A_50 : memref<640x128xf32, #tpu.memory_space<vmem_shared>>) target_semaphore(%run_scoped3A : memref<!tpu.dma_semaphore, #tpu.memory_space<semaphore_mem>>)
      %dma_wait3A_51 = arith.constant 0 : i32
      %dma_wait3A_52 = tpu.memref_slice %arg13[%mul3A_2, %dma_wait3A_51] : memref<10240x128xf32, #tpu.memory_space<vmem_shared>> -> memref<640x128xf32, #tpu.memory_space<vmem_shared>>
      tpu.wait_dma2 semaphore(%run_scoped3A : memref<!tpu.dma_semaphore, #tpu.memory_space<semaphore_mem>>) src(%arg4 : memref<640x128xf32, #tpu.memory_space<hbm>>) dst(%dma_wait3A_52 : memref<640x128xf32, #tpu.memory_space<vmem_shared>>)
      tpu.yield
    }) : () -> ()
    "tpu.region"() ({
      %run_scoped3A = tpu.sem_alloc : memref<!tpu.dma_semaphore, #tpu.memory_space<semaphore_mem>>
      tpu.enqueue_dma source(%arg5 : memref<10240xf32, #tpu.memory_space<hbm>>) target(%arg12 : memref<10240xf32, #tpu.memory_space<vmem>>) target_semaphore(%run_scoped3A : memref<!tpu.dma_semaphore, #tpu.memory_space<semaphore_mem>>)
      tpu.wait_dma2 semaphore(%run_scoped3A : memref<!tpu.dma_semaphore, #tpu.memory_space<semaphore_mem>>) src(%arg5 : memref<10240xf32, #tpu.memory_space<hbm>>) dst(%arg12 : memref<10240xf32, #tpu.memory_space<vmem>>)
      tpu.yield
    }) : () -> ()
    %barrier3A = arith.constant 0 : index
    tpu.barrier barrier_id(%barrier3A)
    %dma_start3A = arith.constant 0 : i32
    %dma_start3A_3 = arith.constant 0 : i32
    %dma_start3A_4 = arith.constant 0 : i32
    %dma_start3A_5 = tpu.memref_slice %arg3[%arg1, %dma_start3A, %dma_start3A_3, %dma_start3A_4] : memref<16x80x2x128xi32, #tpu.memory_space<hbm>> -> memref<1x1x2x128xi32, #tpu.memory_space<hbm>>
    %dma_start3A_6 = tpu.memref_squeeze %dma_start3A_5 : memref<1x1x2x128xi32, #tpu.memory_space<hbm>> -> memref<2x128xi32, #tpu.memory_space<hbm>>
    %dma_start3A_7 = arith.constant 0 : i32
    %dma_start3A_8 = arith.constant 0 : i32
    %dma_start3A_9 = tpu.memref_slice %arg3[%arg1, %dma_start3A, %dma_start3A_7, %dma_start3A_8] : memref<16x80x2x128xi32, #tpu.memory_space<hbm>> -> memref<1x1x2x128xi32, #tpu.memory_space<hbm>>
    %dma_start3A_10 = tpu.memref_squeeze %dma_start3A_9 : memref<1x1x2x128xi32, #tpu.memory_space<hbm>> -> memref<2x128xi32, #tpu.memory_space<hbm>>
    tpu.enqueue_dma source(%dma_start3A_10 : memref<2x128xi32, #tpu.memory_space<hbm>>) target(%arg8 : memref<2x128xi32, #tpu.memory_space<vmem>>) target_semaphore(%arg14 : memref<!tpu.dma_semaphore, #tpu.memory_space<semaphore_mem>>)
    %dma_start3A_11 = arith.constant 1 : i32
    %dma_start3A_12 = arith.constant 0 : i32
    %dma_start3A_13 = arith.constant 0 : i32
    %dma_start3A_14 = tpu.memref_slice %arg3[%arg1, %dma_start3A_11, %dma_start3A_12, %dma_start3A_13] : memref<16x80x2x128xi32, #tpu.memory_space<hbm>> -> memref<1x1x2x128xi32, #tpu.memory_space<hbm>>
    %dma_start3A_15 = tpu.memref_squeeze %dma_start3A_14 : memref<1x1x2x128xi32, #tpu.memory_space<hbm>> -> memref<2x128xi32, #tpu.memory_space<hbm>>
    %dma_start3A_16 = arith.constant 0 : i32
    %dma_start3A_17 = arith.constant 0 : i32
    %dma_start3A_18 = tpu.memref_slice %arg3[%arg1, %dma_start3A_11, %dma_start3A_16, %dma_start3A_17] : memref<16x80x2x128xi32, #tpu.memory_space<hbm>> -> memref<1x1x2x128xi32, #tpu.memory_space<hbm>>
    %dma_start3A_19 = tpu.memref_squeeze %dma_start3A_18 : memref<1x1x2x128xi32, #tpu.memory_space<hbm>> -> memref<2x128xi32, #tpu.memory_space<hbm>>
    tpu.enqueue_dma source(%dma_start3A_19 : memref<2x128xi32, #tpu.memory_space<hbm>>) target(%arg9 : memref<2x128xi32, #tpu.memory_space<vmem>>) target_semaphore(%arg15 : memref<!tpu.dma_semaphore, #tpu.memory_space<semaphore_mem>>)
    %dma_wait3A = arith.constant 0 : i32
    %dma_wait3A_20 = arith.constant 0 : i32
    %dma_wait3A_21 = arith.constant 0 : i32
    %dma_wait3A_22 = tpu.memref_slice %arg3[%arg1, %dma_wait3A, %dma_wait3A_20, %dma_wait3A_21] : memref<16x80x2x128xi32, #tpu.memory_space<hbm>> -> memref<1x1x2x128xi32, #tpu.memory_space<hbm>>
    %dma_wait3A_23 = tpu.memref_squeeze %dma_wait3A_22 : memref<1x1x2x128xi32, #tpu.memory_space<hbm>> -> memref<2x128xi32, #tpu.memory_space<hbm>>
    %dma_wait3A_24 = arith.constant 0 : i32
    %dma_wait3A_25 = arith.constant 0 : i32
    %dma_wait3A_26 = tpu.memref_slice %arg3[%arg1, %dma_wait3A, %dma_wait3A_24, %dma_wait3A_25] : memref<16x80x2x128xi32, #tpu.memory_space<hbm>> -> memref<1x1x2x128xi32, #tpu.memory_space<hbm>>
    %dma_wait3A_27 = tpu.memref_squeeze %dma_wait3A_26 : memref<1x1x2x128xi32, #tpu.memory_space<hbm>> -> memref<2x128xi32, #tpu.memory_space<hbm>>
    tpu.wait_dma2 semaphore(%arg14 : memref<!tpu.dma_semaphore, #tpu.memory_space<semaphore_mem>>) src(%dma_wait3A_27 : memref<2x128xi32, #tpu.memory_space<hbm>>) dst(%arg8 : memref<2x128xi32, #tpu.memory_space<vmem>>)
    %dma_start3A_28 = arith.constant 0 : i32
    %dma_start3A_29 = arith.constant 0 : i32
    %dma_start3A_30 = tpu.memref_slice %arg8[%dma_start3A_28, %dma_start3A_29] : memref<2x128xi32, #tpu.memory_space<vmem>> -> memref<1x128xi32, #tpu.memory_space<vmem>>
    %dma_start3A_31 = tpu.memref_squeeze %dma_start3A_30 : memref<1x128xi32, #tpu.memory_space<vmem>> -> memref<128xi32, #tpu.memory_space<vmem>>
    %dma_start3A_32 = arith.constant 0 : i32
    %dma_start3A_33 = tpu.memref_slice %arg2[%dma_start3A_32, %multiple_of3A] : memref<10000x256xf32, #tpu.memory_space<hbm>> -> memref<10000x128xf32, #tpu.memory_space<hbm>>
    tpu.enqueue_indirect_dma source(%dma_start3A_33 : memref<10000x128xf32, #tpu.memory_space<hbm>>) target(%arg10 : memref<128x128xf32, #tpu.memory_space<vmem>>) offsets(%dma_start3A_31 : memref<128xi32, #tpu.memory_space<vmem>>) semaphore(%arg16 : memref<!tpu.dma_semaphore, #tpu.memory_space<semaphore_mem>>)
    %scan3A = arith.constant 0 : i32
    %scan3A_34 = arith.constant 0 : i32
    %scan3A_35 = arith.constant 40 : i32
    %scan3A_36 = arith.addi %scan3A_34, %scan3A_35 : i32
    %scan3A_37 = arith.constant 1 : i32
    %scan3A_38 = scf.for %scan3A_49 = %scan3A_34 to %scan3A_36 step %scan3A_37 iter_args(%scan3A_50 = %scan3A) -> (i32)  : i32 {
      %mul3A_51 = arith.constant 2 : i32
      %mul3A_52 = arith.muli %scan3A_49, %mul3A_51 : i32
      %add3A_53 = arith.constant 0 : i32
      %add3A_54 = arith.addi %mul3A_52, %add3A_53 : i32
      %add3A_55 = arith.constant 2 : i32
      %add3A_56 = arith.addi %add3A_54, %add3A_55 : i32
      %sub3A = arith.constant 1 : i32
      %sub3A_57 = arith.subi %add3A_56, %sub3A : i32
      %lt3A = arith.constant 80 : i32
      %lt3A_58 = arith.cmpi slt, %sub3A_57, %lt3A : i32
      %convert_element_type3A_59 = arith.extui %lt3A_58 : i1 to i32
      %cond3A_60 = arith.constant 0 : i32
      %cond3A_61 = arith.cmpi ne, %convert_element_type3A_59, %cond3A_60 : i32
      scf.if %cond3A_61 {
        %add3A_244 = arith.constant 2 : i32
        %add3A_245 = arith.addi %add3A_54, %add3A_244 : i32
        %sub3A_246 = arith.constant 1 : i32
        %sub3A_247 = arith.subi %add3A_245, %sub3A_246 : i32
        %dma_wait3A_248 = arith.constant 0 : i32
        %dma_wait3A_249 = arith.constant 0 : i32
        %dma_wait3A_250 = tpu.memref_slice %arg3[%arg1, %sub3A_247, %dma_wait3A_248, %dma_wait3A_249] : memref<16x80x2x128xi32, #tpu.memory_space<hbm>> -> memref<1x1x2x128xi32, #tpu.memory_space<hbm>>
        %dma_wait3A_251 = tpu.memref_squeeze %dma_wait3A_250 : memref<1x1x2x128xi32, #tpu.memory_space<hbm>> -> memref<2x128xi32, #tpu.memory_space<hbm>>
        %dma_wait3A_252 = arith.constant 0 : i32
        %dma_wait3A_253 = arith.constant 0 : i32
        %dma_wait3A_254 = tpu.memref_slice %arg3[%arg1, %sub3A_247, %dma_wait3A_252, %dma_wait3A_253] : memref<16x80x2x128xi32, #tpu.memory_space<hbm>> -> memref<1x1x2x128xi32, #tpu.memory_space<hbm>>
        %dma_wait3A_255 = tpu.memref_squeeze %dma_wait3A_254 : memref<1x1x2x128xi32, #tpu.memory_space<hbm>> -> memref<2x128xi32, #tpu.memory_space<hbm>>
        tpu.wait_dma2 semaphore(%arg15 : memref<!tpu.dma_semaphore, #tpu.memory_space<semaphore_mem>>) src(%dma_wait3A_255 : memref<2x128xi32, #tpu.memory_space<hbm>>) dst(%arg9 : memref<2x128xi32, #tpu.memory_space<vmem>>)
        %dma_start3A_256 = arith.constant 0 : i32
        %dma_start3A_257 = arith.constant 0 : i32
        %dma_start3A_258 = tpu.memref_slice %arg9[%dma_start3A_256, %dma_start3A_257] : memref<2x128xi32, #tpu.memory_space<vmem>> -> memref<1x128xi32, #tpu.memory_space<vmem>>
        %dma_start3A_259 = tpu.memref_squeeze %dma_start3A_258 : memref<1x128xi32, #tpu.memory_space<vmem>> -> memref<128xi32, #tpu.memory_space<vmem>>
        %dma_start3A_260 = arith.constant 0 : i32
        %dma_start3A_261 = tpu.memref_slice %arg2[%dma_start3A_260, %multiple_of3A] : memref<10000x256xf32, #tpu.memory_space<hbm>> -> memref<10000x128xf32, #tpu.memory_space<hbm>>
        tpu.enqueue_indirect_dma source(%dma_start3A_261 : memref<10000x128xf32, #tpu.memory_space<hbm>>) target(%arg11 : memref<128x128xf32, #tpu.memory_space<vmem>>) offsets(%dma_start3A_259 : memref<128xi32, #tpu.memory_space<vmem>>) semaphore(%arg17 : memref<!tpu.dma_semaphore, #tpu.memory_space<semaphore_mem>>)
      } else {
      }
      %get3A = arith.constant 1 : i32
      %get3A_62 = arith.index_cast %get3A : i32 to index
      %get3A_63 = arith.constant 0 : index
      %get3A_64 = tpu.vector_load %arg8[%get3A_62, %get3A_63] {strides = array<i32>} : memref<2x128xi32, #tpu.memory_space<vmem>>, vector<16xi32>,
      %broadcast_in_dim3A = arith.constant true
      %broadcast_in_dim3A_65 = vector.broadcast %broadcast_in_dim3A : i1 to vector<16xi1>
      %unique3A, %unique3A_66 = tpu.scan_count mask(%broadcast_in_dim3A_65 : vector<16xi1>) value(%get3A_64 : vector<16xi32>) : vector<16xi1>, vector<16xi32>
      %convert_element_type3A_67 = arith.sitofp %unique3A_66 : vector<16xi32> to vector<16xf32>
      tpu.vector_store_idx %arg12[%get3A_64], %convert_element_type3A_67 masked %unique3A {add = true} : memref<10240xf32, #tpu.memory_space<vmem>>[vector<16xi32>], vector<16xf32>, vector<16xi1>
      %get3A_68 = arith.constant 1 : i32
      %get3A_69 = arith.index_cast %get3A_68 : i32 to index
      %get3A_70 = arith.constant 16 : index
      %get3A_71 = tpu.vector_load %arg8[%get3A_69, %get3A_70] {strides = array<i32>} : memref<2x128xi32, #tpu.memory_space<vmem>>, vector<16xi32>,
      %broadcast_in_dim3A_72 = arith.constant true
      %broadcast_in_dim3A_73 = vector.broadcast %broadcast_in_dim3A_72 : i1 to vector<16xi1>
      %unique3A_74, %unique3A_75 = tpu.scan_count mask(%broadcast_in_dim3A_73 : vector<16xi1>) value(%get3A_71 : vector<16xi32>) : vector<16xi1>, vector<16xi32>
      %convert_element_type3A_76 = arith.sitofp %unique3A_75 : vector<16xi32> to vector<16xf32>
      tpu.vector_store_idx %arg12[%get3A_71], %convert_element_type3A_76 masked %unique3A_74 {add = true} : memref<10240xf32, #tpu.memory_space<vmem>>[vector<16xi32>], vector<16xf32>, vector<16xi1>
      %get3A_77 = arith.constant 1 : i32
      %get3A_78 = arith.index_cast %get3A_77 : i32 to index
      %get3A_79 = arith.constant 32 : index
      %get3A_80 = tpu.vector_load %arg8[%get3A_78, %get3A_79] {strides = array<i32>} : memref<2x128xi32, #tpu.memory_space<vmem>>, vector<16xi32>,
      %broadcast_in_dim3A_81 = arith.constant true
      %broadcast_in_dim3A_82 = vector.broadcast %broadcast_in_dim3A_81 : i1 to vector<16xi1>
      %unique3A_83, %unique3A_84 = tpu.scan_count mask(%broadcast_in_dim3A_82 : vector<16xi1>) value(%get3A_80 : vector<16xi32>) : vector<16xi1>, vector<16xi32>
      %convert_element_type3A_85 = arith.sitofp %unique3A_84 : vector<16xi32> to vector<16xf32>
      tpu.vector_store_idx %arg12[%get3A_80], %convert_element_type3A_85 masked %unique3A_83 {add = true} : memref<10240xf32, #tpu.memory_space<vmem>>[vector<16xi32>], vector<16xf32>, vector<16xi1>
      %get3A_86 = arith.constant 1 : i32
      %get3A_87 = arith.index_cast %get3A_86 : i32 to index
      %get3A_88 = arith.constant 48 : index
      %get3A_89 = tpu.vector_load %arg8[%get3A_87, %get3A_88] {strides = array<i32>} : memref<2x128xi32, #tpu.memory_space<vmem>>, vector<16xi32>,
      %broadcast_in_dim3A_90 = arith.constant true
      %broadcast_in_dim3A_91 = vector.broadcast %broadcast_in_dim3A_90 : i1 to vector<16xi1>
      %unique3A_92, %unique3A_93 = tpu.scan_count mask(%broadcast_in_dim3A_91 : vector<16xi1>) value(%get3A_89 : vector<16xi32>) : vector<16xi1>, vector<16xi32>
      %convert_element_type3A_94 = arith.sitofp %unique3A_93 : vector<16xi32> to vector<16xf32>
      tpu.vector_store_idx %arg12[%get3A_89], %convert_element_type3A_94 masked %unique3A_92 {add = true} : memref<10240xf32, #tpu.memory_space<vmem>>[vector<16xi32>], vector<16xf32>, vector<16xi1>
      %get3A_95 = arith.constant 1 : i32
      %get3A_96 = arith.index_cast %get3A_95 : i32 to index
      %get3A_97 = arith.constant 64 : index
      %get3A_98 = tpu.vector_load %arg8[%get3A_96, %get3A_97] {strides = array<i32>} : memref<2x128xi32, #tpu.memory_space<vmem>>, vector<16xi32>,
      %broadcast_in_dim3A_99 = arith.constant true
      %broadcast_in_dim3A_100 = vector.broadcast %broadcast_in_dim3A_99 : i1 to vector<16xi1>
      %unique3A_101, %unique3A_102 = tpu.scan_count mask(%broadcast_in_dim3A_100 : vector<16xi1>) value(%get3A_98 : vector<16xi32>) : vector<16xi1>, vector<16xi32>
      %convert_element_type3A_103 = arith.sitofp %unique3A_102 : vector<16xi32> to vector<16xf32>
      tpu.vector_store_idx %arg12[%get3A_98], %convert_element_type3A_103 masked %unique3A_101 {add = true} : memref<10240xf32, #tpu.memory_space<vmem>>[vector<16xi32>], vector<16xf32>, vector<16xi1>
      %get3A_104 = arith.constant 1 : i32
      %get3A_105 = arith.index_cast %get3A_104 : i32 to index
      %get3A_106 = arith.constant 80 : index
      %get3A_107 = tpu.vector_load %arg8[%get3A_105, %get3A_106] {strides = array<i32>} : memref<2x128xi32, #tpu.memory_space<vmem>>, vector<16xi32>,
      %broadcast_in_dim3A_108 = arith.constant true
      %broadcast_in_dim3A_109 = vector.broadcast %broadcast_in_dim3A_108 : i1 to vector<16xi1>
      %unique3A_110, %unique3A_111 = tpu.scan_count mask(%broadcast_in_dim3A_109 : vector<16xi1>) value(%get3A_107 : vector<16xi32>) : vector<16xi1>, vector<16xi32>
      %convert_element_type3A_112 = arith.sitofp %unique3A_111 : vector<16xi32> to vector<16xf32>
      tpu.vector_store_idx %arg12[%get3A_107], %convert_element_type3A_112 masked %unique3A_110 {add = true} : memref<10240xf32, #tpu.memory_space<vmem>>[vector<16xi32>], vector<16xf32>, vector<16xi1>
      %get3A_113 = arith.constant 1 : i32
      %get3A_114 = arith.index_cast %get3A_113 : i32 to index
      %get3A_115 = arith.constant 96 : index
      %get3A_116 = tpu.vector_load %arg8[%get3A_114, %get3A_115] {strides = array<i32>} : memref<2x128xi32, #tpu.memory_space<vmem>>, vector<16xi32>,
      %broadcast_in_dim3A_117 = arith.constant true
      %broadcast_in_dim3A_118 = vector.broadcast %broadcast_in_dim3A_117 : i1 to vector<16xi1>
      %unique3A_119, %unique3A_120 = tpu.scan_count mask(%broadcast_in_dim3A_118 : vector<16xi1>) value(%get3A_116 : vector<16xi32>) : vector<16xi1>, vector<16xi32>
      %convert_element_type3A_121 = arith.sitofp %unique3A_120 : vector<16xi32> to vector<16xf32>
      tpu.vector_store_idx %arg12[%get3A_116], %convert_element_type3A_121 masked %unique3A_119 {add = true} : memref<10240xf32, #tpu.memory_space<vmem>>[vector<16xi32>], vector<16xf32>, vector<16xi1>
      %get3A_122 = arith.constant 1 : i32
      %get3A_123 = arith.index_cast %get3A_122 : i32 to index
      %get3A_124 = arith.constant 112 : index
      %get3A_125 = tpu.vector_load %arg8[%get3A_123, %get3A_124] {strides = array<i32>} : memref<2x128xi32, #tpu.memory_space<vmem>>, vector<16xi32>,
      %broadcast_in_dim3A_126 = arith.constant true
      %broadcast_in_dim3A_127 = vector.broadcast %broadcast_in_dim3A_126 : i1 to vector<16xi1>
      %unique3A_128, %unique3A_129 = tpu.scan_count mask(%broadcast_in_dim3A_127 : vector<16xi1>) value(%get3A_125 : vector<16xi32>) : vector<16xi1>, vector<16xi32>
      %convert_element_type3A_130 = arith.sitofp %unique3A_129 : vector<16xi32> to vector<16xf32>
      tpu.vector_store_idx %arg12[%get3A_125], %convert_element_type3A_130 masked %unique3A_128 {add = true} : memref<10240xf32, #tpu.memory_space<vmem>>[vector<16xi32>], vector<16xf32>, vector<16xi1>
      %dma_wait3A_131 = arith.constant 0 : i32
      %dma_wait3A_132 = arith.constant 0 : i32
      %dma_wait3A_133 = tpu.memref_slice %arg8[%dma_wait3A_131, %dma_wait3A_132] : memref<2x128xi32, #tpu.memory_space<vmem>> -> memref<1x128xi32, #tpu.memory_space<vmem>>
      %dma_wait3A_134 = tpu.memref_squeeze %dma_wait3A_133 : memref<1x128xi32, #tpu.memory_space<vmem>> -> memref<128xi32, #tpu.memory_space<vmem>>
      %dma_wait3A_135 = arith.constant 0 : i32
      %dma_wait3A_136 = tpu.memref_slice %arg2[%dma_wait3A_135, %multiple_of3A] : memref<10000x256xf32, #tpu.memory_space<hbm>> -> memref<10000x128xf32, #tpu.memory_space<hbm>>
      tpu.wait_indirect_dma semaphore(%arg16 : memref<!tpu.dma_semaphore, #tpu.memory_space<semaphore_mem>>) src(%dma_wait3A_136 : memref<10000x128xf32, #tpu.memory_space<hbm>>) dst(%arg10 : memref<128x128xf32, #tpu.memory_space<vmem>>)
      %run_scoped3A = arith.constant 1 : i32
      "tpu.region"() ({
        %run_scoped3A_244 = tpu.sem_alloc : memref<!tpu.dma_semaphore, #tpu.memory_space<semaphore_mem>>
        %dma_start3A_245 = arith.constant 0 : i32
        %dma_start3A_246 = tpu.memref_slice %arg8[%run_scoped3A, %dma_start3A_245] : memref<2x128xi32, #tpu.memory_space<vmem>> -> memref<1x128xi32, #tpu.memory_space<vmem>>
        %dma_start3A_247 = tpu.memref_squeeze %dma_start3A_246 : memref<1x128xi32, #tpu.memory_space<vmem>> -> memref<128xi32, #tpu.memory_space<vmem>>
        %dma_start3A_248 = arith.constant 0 : i32
        %dma_start3A_249 = arith.constant 0 : i32
        %dma_start3A_250 = tpu.memref_slice %arg13[%dma_start3A_248, %dma_start3A_249] : memref<10240x128xf32, #tpu.memory_space<vmem_shared>> -> memref<10240x128xf32, #tpu.memory_space<vmem_shared>>
        tpu.enqueue_indirect_dma source(%arg10 : memref<128x128xf32, #tpu.memory_space<vmem>>) target(%dma_start3A_250 : memref<10240x128xf32, #tpu.memory_space<vmem_shared>>) offsets(%dma_start3A_247 : memref<128xi32, #tpu.memory_space<vmem>>) semaphore(%run_scoped3A_244 : memref<!tpu.dma_semaphore, #tpu.memory_space<semaphore_mem>>) {add = true}
        %dma_wait3A_251 = arith.constant 0 : i32
        %dma_wait3A_252 = tpu.memref_slice %arg8[%run_scoped3A, %dma_wait3A_251] : memref<2x128xi32, #tpu.memory_space<vmem>> -> memref<1x128xi32, #tpu.memory_space<vmem>>
        %dma_wait3A_253 = tpu.memref_squeeze %dma_wait3A_252 : memref<1x128xi32, #tpu.memory_space<vmem>> -> memref<128xi32, #tpu.memory_space<vmem>>
        %dma_wait3A_254 = arith.constant 0 : i32
        %dma_wait3A_255 = arith.constant 0 : i32
        %dma_wait3A_256 = tpu.memref_slice %arg13[%dma_wait3A_254, %dma_wait3A_255] : memref<10240x128xf32, #tpu.memory_space<vmem_shared>> -> memref<10240x128xf32, #tpu.memory_space<vmem_shared>>
        tpu.wait_indirect_dma semaphore(%run_scoped3A_244 : memref<!tpu.dma_semaphore, #tpu.memory_space<semaphore_mem>>) src(%arg10 : memref<128x128xf32, #tpu.memory_space<vmem>>) dst(%dma_wait3A_256 : memref<10240x128xf32, #tpu.memory_space<vmem_shared>>)
        tpu.yield
      }) : () -> ()
      %add3A_137 = arith.constant 2 : i32
      %add3A_138 = arith.addi %add3A_54, %add3A_137 : i32
      %lt3A_139 = arith.constant 80 : i32
      %lt3A_140 = arith.cmpi slt, %add3A_138, %lt3A_139 : i32
      %convert_element_type3A_141 = arith.extui %lt3A_140 : i1 to i32
      %cond3A_142 = arith.constant 0 : i32
      %cond3A_143 = arith.cmpi ne, %convert_element_type3A_141, %cond3A_142 : i32
      scf.if %cond3A_143 {
        %add3A_244 = arith.constant 2 : i32
        %add3A_245 = arith.addi %add3A_54, %add3A_244 : i32
        %dma_start3A_246 = arith.constant 0 : i32
        %dma_start3A_247 = arith.constant 0 : i32
        %dma_start3A_248 = tpu.memref_slice %arg3[%arg1, %add3A_245, %dma_start3A_246, %dma_start3A_247] : memref<16x80x2x128xi32, #tpu.memory_space<hbm>> -> memref<1x1x2x128xi32, #tpu.memory_space<hbm>>
        %dma_start3A_249 = tpu.memref_squeeze %dma_start3A_248 : memref<1x1x2x128xi32, #tpu.memory_space<hbm>> -> memref<2x128xi32, #tpu.memory_space<hbm>>
        %dma_start3A_250 = arith.constant 0 : i32
        %dma_start3A_251 = arith.constant 0 : i32
        %dma_start3A_252 = tpu.memref_slice %arg3[%arg1, %add3A_245, %dma_start3A_250, %dma_start3A_251] : memref<16x80x2x128xi32, #tpu.memory_space<hbm>> -> memref<1x1x2x128xi32, #tpu.memory_space<hbm>>
        %dma_start3A_253 = tpu.memref_squeeze %dma_start3A_252 : memref<1x1x2x128xi32, #tpu.memory_space<hbm>> -> memref<2x128xi32, #tpu.memory_space<hbm>>
        tpu.enqueue_dma source(%dma_start3A_253 : memref<2x128xi32, #tpu.memory_space<hbm>>) target(%arg8 : memref<2x128xi32, #tpu.memory_space<vmem>>) target_semaphore(%arg14 : memref<!tpu.dma_semaphore, #tpu.memory_space<semaphore_mem>>)
      } else {
      }
      %mul3A_144 = arith.constant 2 : i32
      %mul3A_145 = arith.muli %scan3A_49, %mul3A_144 : i32
      %add3A_146 = arith.constant 1 : i32
      %add3A_147 = arith.addi %mul3A_145, %add3A_146 : i32
      %add3A_148 = arith.constant 2 : i32
      %add3A_149 = arith.addi %add3A_147, %add3A_148 : i32
      %sub3A_150 = arith.constant 1 : i32
      %sub3A_151 = arith.subi %add3A_149, %sub3A_150 : i32
      %lt3A_152 = arith.constant 80 : i32
      %lt3A_153 = arith.cmpi slt, %sub3A_151, %lt3A_152 : i32
      %convert_element_type3A_154 = arith.extui %lt3A_153 : i1 to i32
      %cond3A_155 = arith.constant 0 : i32
      %cond3A_156 = arith.cmpi ne, %convert_element_type3A_154, %cond3A_155 : i32
      scf.if %cond3A_156 {
        %add3A_244 = arith.constant 2 : i32
        %add3A_245 = arith.addi %add3A_147, %add3A_244 : i32
        %sub3A_246 = arith.constant 1 : i32
        %sub3A_247 = arith.subi %add3A_245, %sub3A_246 : i32
        %dma_wait3A_248 = arith.constant 0 : i32
        %dma_wait3A_249 = arith.constant 0 : i32
        %dma_wait3A_250 = tpu.memref_slice %arg3[%arg1, %sub3A_247, %dma_wait3A_248, %dma_wait3A_249] : memref<16x80x2x128xi32, #tpu.memory_space<hbm>> -> memref<1x1x2x128xi32, #tpu.memory_space<hbm>>
        %dma_wait3A_251 = tpu.memref_squeeze %dma_wait3A_250 : memref<1x1x2x128xi32, #tpu.memory_space<hbm>> -> memref<2x128xi32, #tpu.memory_space<hbm>>
        %dma_wait3A_252 = arith.constant 0 : i32
        %dma_wait3A_253 = arith.constant 0 : i32
        %dma_wait3A_254 = tpu.memref_slice %arg3[%arg1, %sub3A_247, %dma_wait3A_252, %dma_wait3A_253] : memref<16x80x2x128xi32, #tpu.memory_space<hbm>> -> memref<1x1x2x128xi32, #tpu.memory_space<hbm>>
        %dma_wait3A_255 = tpu.memref_squeeze %dma_wait3A_254 : memref<1x1x2x128xi32, #tpu.memory_space<hbm>> -> memref<2x128xi32, #tpu.memory_space<hbm>>
        tpu.wait_dma2 semaphore(%arg14 : memref<!tpu.dma_semaphore, #tpu.memory_space<semaphore_mem>>) src(%dma_wait3A_255 : memref<2x128xi32, #tpu.memory_space<hbm>>) dst(%arg8 : memref<2x128xi32, #tpu.memory_space<vmem>>)
        %dma_start3A_256 = arith.constant 0 : i32
        %dma_start3A_257 = arith.constant 0 : i32
        %dma_start3A_258 = tpu.memref_slice %arg8[%dma_start3A_256, %dma_start3A_257] : memref<2x128xi32, #tpu.memory_space<vmem>> -> memref<1x128xi32, #tpu.memory_space<vmem>>
        %dma_start3A_259 = tpu.memref_squeeze %dma_start3A_258 : memref<1x128xi32, #tpu.memory_space<vmem>> -> memref<128xi32, #tpu.memory_space<vmem>>
        %dma_start3A_260 = arith.constant 0 : i32
        %dma_start3A_261 = tpu.memref_slice %arg2[%dma_start3A_260, %multiple_of3A] : memref<10000x256xf32, #tpu.memory_space<hbm>> -> memref<10000x128xf32, #tpu.memory_space<hbm>>
        tpu.enqueue_indirect_dma source(%dma_start3A_261 : memref<10000x128xf32, #tpu.memory_space<hbm>>) target(%arg10 : memref<128x128xf32, #tpu.memory_space<vmem>>) offsets(%dma_start3A_259 : memref<128xi32, #tpu.memory_space<vmem>>) semaphore(%arg16 : memref<!tpu.dma_semaphore, #tpu.memory_space<semaphore_mem>>)
      } else {
      }
      %get3A_157 = arith.constant 1 : i32
      %get3A_158 = arith.index_cast %get3A_157 : i32 to index
      %get3A_159 = arith.constant 0 : index
      %get3A_160 = tpu.vector_load %arg9[%get3A_158, %get3A_159] {strides = array<i32>} : memref<2x128xi32, #tpu.memory_space<vmem>>, vector<16xi32>,
      %broadcast_in_dim3A_161 = arith.constant true
      %broadcast_in_dim3A_162 = vector.broadcast %broadcast_in_dim3A_161 : i1 to vector<16xi1>
      %unique3A_163, %unique3A_164 = tpu.scan_count mask(%broadcast_in_dim3A_162 : vector<16xi1>) value(%get3A_160 : vector<16xi32>) : vector<16xi1>, vector<16xi32>
      %convert_element_type3A_165 = arith.sitofp %unique3A_164 : vector<16xi32> to vector<16xf32>
      tpu.vector_store_idx %arg12[%get3A_160], %convert_element_type3A_165 masked %unique3A_163 {add = true} : memref<10240xf32, #tpu.memory_space<vmem>>[vector<16xi32>], vector<16xf32>, vector<16xi1>
      %get3A_166 = arith.constant 1 : i32
      %get3A_167 = arith.index_cast %get3A_166 : i32 to index
      %get3A_168 = arith.constant 16 : index
      %get3A_169 = tpu.vector_load %arg9[%get3A_167, %get3A_168] {strides = array<i32>} : memref<2x128xi32, #tpu.memory_space<vmem>>, vector<16xi32>,
      %broadcast_in_dim3A_170 = arith.constant true
      %broadcast_in_dim3A_171 = vector.broadcast %broadcast_in_dim3A_170 : i1 to vector<16xi1>
      %unique3A_172, %unique3A_173 = tpu.scan_count mask(%broadcast_in_dim3A_171 : vector<16xi1>) value(%get3A_169 : vector<16xi32>) : vector<16xi1>, vector<16xi32>
      %convert_element_type3A_174 = arith.sitofp %unique3A_173 : vector<16xi32> to vector<16xf32>
      tpu.vector_store_idx %arg12[%get3A_169], %convert_element_type3A_174 masked %unique3A_172 {add = true} : memref<10240xf32, #tpu.memory_space<vmem>>[vector<16xi32>], vector<16xf32>, vector<16xi1>
      %get3A_175 = arith.constant 1 : i32
      %get3A_176 = arith.index_cast %get3A_175 : i32 to index
      %get3A_177 = arith.constant 32 : index
      %get3A_178 = tpu.vector_load %arg9[%get3A_176, %get3A_177] {strides = array<i32>} : memref<2x128xi32, #tpu.memory_space<vmem>>, vector<16xi32>,
      %broadcast_in_dim3A_179 = arith.constant true
      %broadcast_in_dim3A_180 = vector.broadcast %broadcast_in_dim3A_179 : i1 to vector<16xi1>
      %unique3A_181, %unique3A_182 = tpu.scan_count mask(%broadcast_in_dim3A_180 : vector<16xi1>) value(%get3A_178 : vector<16xi32>) : vector<16xi1>, vector<16xi32>
      %convert_element_type3A_183 = arith.sitofp %unique3A_182 : vector<16xi32> to vector<16xf32>
      tpu.vector_store_idx %arg12[%get3A_178], %convert_element_type3A_183 masked %unique3A_181 {add = true} : memref<10240xf32, #tpu.memory_space<vmem>>[vector<16xi32>], vector<16xf32>, vector<16xi1>
      %get3A_184 = arith.constant 1 : i32
      %get3A_185 = arith.index_cast %get3A_184 : i32 to index
      %get3A_186 = arith.constant 48 : index
      %get3A_187 = tpu.vector_load %arg9[%get3A_185, %get3A_186] {strides = array<i32>} : memref<2x128xi32, #tpu.memory_space<vmem>>, vector<16xi32>,
      %broadcast_in_dim3A_188 = arith.constant true
      %broadcast_in_dim3A_189 = vector.broadcast %broadcast_in_dim3A_188 : i1 to vector<16xi1>
      %unique3A_190, %unique3A_191 = tpu.scan_count mask(%broadcast_in_dim3A_189 : vector<16xi1>) value(%get3A_187 : vector<16xi32>) : vector<16xi1>, vector<16xi32>
      %convert_element_type3A_192 = arith.sitofp %unique3A_191 : vector<16xi32> to vector<16xf32>
      tpu.vector_store_idx %arg12[%get3A_187], %convert_element_type3A_192 masked %unique3A_190 {add = true} : memref<10240xf32, #tpu.memory_space<vmem>>[vector<16xi32>], vector<16xf32>, vector<16xi1>
      %get3A_193 = arith.constant 1 : i32
      %get3A_194 = arith.index_cast %get3A_193 : i32 to index
      %get3A_195 = arith.constant 64 : index
      %get3A_196 = tpu.vector_load %arg9[%get3A_194, %get3A_195] {strides = array<i32>} : memref<2x128xi32, #tpu.memory_space<vmem>>, vector<16xi32>,
      %broadcast_in_dim3A_197 = arith.constant true
      %broadcast_in_dim3A_198 = vector.broadcast %broadcast_in_dim3A_197 : i1 to vector<16xi1>
      %unique3A_199, %unique3A_200 = tpu.scan_count mask(%broadcast_in_dim3A_198 : vector<16xi1>) value(%get3A_196 : vector<16xi32>) : vector<16xi1>, vector<16xi32>
      %convert_element_type3A_201 = arith.sitofp %unique3A_200 : vector<16xi32> to vector<16xf32>
      tpu.vector_store_idx %arg12[%get3A_196], %convert_element_type3A_201 masked %unique3A_199 {add = true} : memref<10240xf32, #tpu.memory_space<vmem>>[vector<16xi32>], vector<16xf32>, vector<16xi1>
      %get3A_202 = arith.constant 1 : i32
      %get3A_203 = arith.index_cast %get3A_202 : i32 to index
      %get3A_204 = arith.constant 80 : index
      %get3A_205 = tpu.vector_load %arg9[%get3A_203, %get3A_204] {strides = array<i32>} : memref<2x128xi32, #tpu.memory_space<vmem>>, vector<16xi32>,
      %broadcast_in_dim3A_206 = arith.constant true
      %broadcast_in_dim3A_207 = vector.broadcast %broadcast_in_dim3A_206 : i1 to vector<16xi1>
      %unique3A_208, %unique3A_209 = tpu.scan_count mask(%broadcast_in_dim3A_207 : vector<16xi1>) value(%get3A_205 : vector<16xi32>) : vector<16xi1>, vector<16xi32>
      %convert_element_type3A_210 = arith.sitofp %unique3A_209 : vector<16xi32> to vector<16xf32>
      tpu.vector_store_idx %arg12[%get3A_205], %convert_element_type3A_210 masked %unique3A_208 {add = true} : memref<10240xf32, #tpu.memory_space<vmem>>[vector<16xi32>], vector<16xf32>, vector<16xi1>
      %get3A_211 = arith.constant 1 : i32
      %get3A_212 = arith.index_cast %get3A_211 : i32 to index
      %get3A_213 = arith.constant 96 : index
      %get3A_214 = tpu.vector_load %arg9[%get3A_212, %get3A_213] {strides = array<i32>} : memref<2x128xi32, #tpu.memory_space<vmem>>, vector<16xi32>,
      %broadcast_in_dim3A_215 = arith.constant true
      %broadcast_in_dim3A_216 = vector.broadcast %broadcast_in_dim3A_215 : i1 to vector<16xi1>
      %unique3A_217, %unique3A_218 = tpu.scan_count mask(%broadcast_in_dim3A_216 : vector<16xi1>) value(%get3A_214 : vector<16xi32>) : vector<16xi1>, vector<16xi32>
      %convert_element_type3A_219 = arith.sitofp %unique3A_218 : vector<16xi32> to vector<16xf32>
      tpu.vector_store_idx %arg12[%get3A_214], %convert_element_type3A_219 masked %unique3A_217 {add = true} : memref<10240xf32, #tpu.memory_space<vmem>>[vector<16xi32>], vector<16xf32>, vector<16xi1>
      %get3A_220 = arith.constant 1 : i32
      %get3A_221 = arith.index_cast %get3A_220 : i32 to index
      %get3A_222 = arith.constant 112 : index
      %get3A_223 = tpu.vector_load %arg9[%get3A_221, %get3A_222] {strides = array<i32>} : memref<2x128xi32, #tpu.memory_space<vmem>>, vector<16xi32>,
      %broadcast_in_dim3A_224 = arith.constant true
      %broadcast_in_dim3A_225 = vector.broadcast %broadcast_in_dim3A_224 : i1 to vector<16xi1>
      %unique3A_226, %unique3A_227 = tpu.scan_count mask(%broadcast_in_dim3A_225 : vector<16xi1>) value(%get3A_223 : vector<16xi32>) : vector<16xi1>, vector<16xi32>
      %convert_element_type3A_228 = arith.sitofp %unique3A_227 : vector<16xi32> to vector<16xf32>
      tpu.vector_store_idx %arg12[%get3A_223], %convert_element_type3A_228 masked %unique3A_226 {add = true} : memref<10240xf32, #tpu.memory_space<vmem>>[vector<16xi32>], vector<16xf32>, vector<16xi1>
      %dma_wait3A_229 = arith.constant 0 : i32
      %dma_wait3A_230 = arith.constant 0 : i32
      %dma_wait3A_231 = tpu.memref_slice %arg9[%dma_wait3A_229, %dma_wait3A_230] : memref<2x128xi32, #tpu.memory_space<vmem>> -> memref<1x128xi32, #tpu.memory_space<vmem>>
      %dma_wait3A_232 = tpu.memref_squeeze %dma_wait3A_231 : memref<1x128xi32, #tpu.memory_space<vmem>> -> memref<128xi32, #tpu.memory_space<vmem>>
      %dma_wait3A_233 = arith.constant 0 : i32
      %dma_wait3A_234 = tpu.memref_slice %arg2[%dma_wait3A_233, %multiple_of3A] : memref<10000x256xf32, #tpu.memory_space<hbm>> -> memref<10000x128xf32, #tpu.memory_space<hbm>>
      tpu.wait_indirect_dma semaphore(%arg17 : memref<!tpu.dma_semaphore, #tpu.memory_space<semaphore_mem>>) src(%dma_wait3A_234 : memref<10000x128xf32, #tpu.memory_space<hbm>>) dst(%arg11 : memref<128x128xf32, #tpu.memory_space<vmem>>)
      %run_scoped3A_235 = arith.constant 1 : i32
      "tpu.region"() ({
        %run_scoped3A_244 = tpu.sem_alloc : memref<!tpu.dma_semaphore, #tpu.memory_space<semaphore_mem>>
        %dma_start3A_245 = arith.constant 0 : i32
        %dma_start3A_246 = tpu.memref_slice %arg9[%run_scoped3A_235, %dma_start3A_245] : memref<2x128xi32, #tpu.memory_space<vmem>> -> memref<1x128xi32, #tpu.memory_space<vmem>>
        %dma_start3A_247 = tpu.memref_squeeze %dma_start3A_246 : memref<1x128xi32, #tpu.memory_space<vmem>> -> memref<128xi32, #tpu.memory_space<vmem>>
        %dma_start3A_248 = arith.constant 0 : i32
        %dma_start3A_249 = arith.constant 0 : i32
        %dma_start3A_250 = tpu.memref_slice %arg13[%dma_start3A_248, %dma_start3A_249] : memref<10240x128xf32, #tpu.memory_space<vmem_shared>> -> memref<10240x128xf32, #tpu.memory_space<vmem_shared>>
        tpu.enqueue_indirect_dma source(%arg11 : memref<128x128xf32, #tpu.memory_space<vmem>>) target(%dma_start3A_250 : memref<10240x128xf32, #tpu.memory_space<vmem_shared>>) offsets(%dma_start3A_247 : memref<128xi32, #tpu.memory_space<vmem>>) semaphore(%run_scoped3A_244 : memref<!tpu.dma_semaphore, #tpu.memory_space<semaphore_mem>>) {add = true}
        %dma_wait3A_251 = arith.constant 0 : i32
        %dma_wait3A_252 = tpu.memref_slice %arg9[%run_scoped3A_235, %dma_wait3A_251] : memref<2x128xi32, #tpu.memory_space<vmem>> -> memref<1x128xi32, #tpu.memory_space<vmem>>
        %dma_wait3A_253 = tpu.memref_squeeze %dma_wait3A_252 : memref<1x128xi32, #tpu.memory_space<vmem>> -> memref<128xi32, #tpu.memory_space<vmem>>
        %dma_wait3A_254 = arith.constant 0 : i32
        %dma_wait3A_255 = arith.constant 0 : i32
        %dma_wait3A_256 = tpu.memref_slice %arg13[%dma_wait3A_254, %dma_wait3A_255] : memref<10240x128xf32, #tpu.memory_space<vmem_shared>> -> memref<10240x128xf32, #tpu.memory_space<vmem_shared>>
        tpu.wait_indirect_dma semaphore(%run_scoped3A_244 : memref<!tpu.dma_semaphore, #tpu.memory_space<semaphore_mem>>) src(%arg11 : memref<128x128xf32, #tpu.memory_space<vmem>>) dst(%dma_wait3A_256 : memref<10240x128xf32, #tpu.memory_space<vmem_shared>>)
        tpu.yield
      }) : () -> ()
      %add3A_236 = arith.constant 2 : i32
      %add3A_237 = arith.addi %add3A_147, %add3A_236 : i32
      %lt3A_238 = arith.constant 80 : i32
      %lt3A_239 = arith.cmpi slt, %add3A_237, %lt3A_238 : i32
      %convert_element_type3A_240 = arith.extui %lt3A_239 : i1 to i32
      %cond3A_241 = arith.constant 0 : i32
      %cond3A_242 = arith.cmpi ne, %convert_element_type3A_240, %cond3A_241 : i32
      scf.if %cond3A_242 {
        %add3A_244 = arith.constant 2 : i32
        %add3A_245 = arith.addi %add3A_147, %add3A_244 : i32
        %dma_start3A_246 = arith.constant 0 : i32
        %dma_start3A_247 = arith.constant 0 : i32
        %dma_start3A_248 = tpu.memref_slice %arg3[%arg1, %add3A_245, %dma_start3A_246, %dma_start3A_247] : memref<16x80x2x128xi32, #tpu.memory_space<hbm>> -> memref<1x1x2x128xi32, #tpu.memory_space<hbm>>
        %dma_start3A_249 = tpu.memref_squeeze %dma_start3A_248 : memref<1x1x2x128xi32, #tpu.memory_space<hbm>> -> memref<2x128xi32, #tpu.memory_space<hbm>>
        %dma_start3A_250 = arith.constant 0 : i32
        %dma_start3A_251 = arith.constant 0 : i32
        %dma_start3A_252 = tpu.memref_slice %arg3[%arg1, %add3A_245, %dma_start3A_250, %dma_start3A_251] : memref<16x80x2x128xi32, #tpu.memory_space<hbm>> -> memref<1x1x2x128xi32, #tpu.memory_space<hbm>>
        %dma_start3A_253 = tpu.memref_squeeze %dma_start3A_252 : memref<1x1x2x128xi32, #tpu.memory_space<hbm>> -> memref<2x128xi32, #tpu.memory_space<hbm>>
        tpu.enqueue_dma source(%dma_start3A_253 : memref<2x128xi32, #tpu.memory_space<hbm>>) target(%arg9 : memref<2x128xi32, #tpu.memory_space<vmem>>) target_semaphore(%arg15 : memref<!tpu.dma_semaphore, #tpu.memory_space<semaphore_mem>>)
      } else {
      }
      %scan3A_243 = arith.constant 0 : i32
      scf.yield %scan3A_243 : i32
    }
    %scan3A_39 = arith.constant 40 : i32
    %barrier3A_40 = arith.constant 0 : index
    tpu.barrier barrier_id(%barrier3A_40)
    %mul3A_41 = arith.constant 640 : i32
    %mul3A_42 = arith.muli %arg1, %mul3A_41 : i32
    %mul3A_43 = arith.constant 10240 : i32
    %mul3A_44 = arith.muli %arg0, %mul3A_43 : i32
    %mul3A_45 = arith.constant 640 : i32
    %mul3A_46 = arith.muli %arg1, %mul3A_45 : i32
    %add3A = arith.addi %mul3A_44, %mul3A_46 : i32
    "tpu.region"() ({
      %run_scoped3A = tpu.sem_alloc : memref<!tpu.dma_semaphore, #tpu.memory_space<semaphore_mem>>
      %dma_start3A_49 = arith.constant 0 : i32
      %dma_start3A_50 = tpu.memref_slice %arg6[%add3A, %dma_start3A_49] : memref<20480x128xf32, #tpu.memory_space<hbm>> -> memref<640x128xf32, #tpu.memory_space<hbm>>
      %dma_start3A_51 = arith.constant 0 : i32
      %dma_start3A_52 = tpu.memref_slice %arg13[%mul3A_42, %dma_start3A_51] : memref<10240x128xf32, #tpu.memory_space<vmem_shared>> -> memref<640x128xf32, #tpu.memory_space<vmem_shared>>
      tpu.enqueue_dma source(%dma_start3A_52 : memref<640x128xf32, #tpu.memory_space<vmem_shared>>) target(%dma_start3A_50 : memref<640x128xf32, #tpu.memory_space<hbm>>) target_semaphore(%run_scoped3A : memref<!tpu.dma_semaphore, #tpu.memory_space<semaphore_mem>>)
      %dma_wait3A_53 = arith.constant 0 : i32
      %dma_wait3A_54 = tpu.memref_slice %arg6[%add3A, %dma_wait3A_53] : memref<20480x128xf32, #tpu.memory_space<hbm>> -> memref<640x128xf32, #tpu.memory_space<hbm>>
      %dma_wait3A_55 = arith.constant 0 : i32
      %dma_wait3A_56 = tpu.memref_slice %arg13[%mul3A_42, %dma_wait3A_55] : memref<10240x128xf32, #tpu.memory_space<vmem_shared>> -> memref<640x128xf32, #tpu.memory_space<vmem_shared>>
      tpu.wait_dma2 semaphore(%run_scoped3A : memref<!tpu.dma_semaphore, #tpu.memory_space<semaphore_mem>>) src(%dma_wait3A_56 : memref<640x128xf32, #tpu.memory_space<vmem_shared>>) dst(%dma_wait3A_54 : memref<640x128xf32, #tpu.memory_space<hbm>>)
      tpu.yield
    }) : () -> ()
    %eq3A = arith.constant 0 : i32
    %eq3A_47 = arith.cmpi eq, %arg0, %eq3A : i32
    %convert_element_type3A = arith.extui %eq3A_47 : i1 to i32
    %cond3A = arith.constant 0 : i32
    %cond3A_48 = arith.cmpi ne, %convert_element_type3A, %cond3A : i32
    scf.if %cond3A_48 {
      "tpu.region"() ({
        %run_scoped3A = tpu.sem_alloc : memref<!tpu.dma_semaphore, #tpu.memory_space<semaphore_mem>>
        %dma_start3A_49 = arith.constant 0 : i32
        %dma_start3A_50 = tpu.memref_slice %arg7[%arg1, %dma_start3A_49] : memref<16x10240xf32, #tpu.memory_space<hbm>> -> memref<1x10240xf32, #tpu.memory_space<hbm>>
        %dma_start3A_51 = tpu.memref_squeeze %dma_start3A_50 : memref<1x10240xf32, #tpu.memory_space<hbm>> -> memref<10240xf32, #tpu.memory_space<hbm>>
        %dma_start3A_52 = arith.constant 0 : i32
        %dma_start3A_53 = tpu.memref_slice %arg7[%arg1, %dma_start3A_52] : memref<16x10240xf32, #tpu.memory_space<hbm>> -> memref<1x10240xf32, #tpu.memory_space<hbm>>
        %dma_start3A_54 = tpu.memref_squeeze %dma_start3A_53 : memref<1x10240xf32, #tpu.memory_space<hbm>> -> memref<10240xf32, #tpu.memory_space<hbm>>
        tpu.enqueue_dma source(%arg12 : memref<10240xf32, #tpu.memory_space<vmem>>) target(%dma_start3A_54 : memref<10240xf32, #tpu.memory_space<hbm>>) target_semaphore(%run_scoped3A : memref<!tpu.dma_semaphore, #tpu.memory_space<semaphore_mem>>)
        %dma_wait3A_55 = arith.constant 0 : i32
        %dma_wait3A_56 = tpu.memref_slice %arg7[%arg1, %dma_wait3A_55] : memref<16x10240xf32, #tpu.memory_space<hbm>> -> memref<1x10240xf32, #tpu.memory_space<hbm>>
        %dma_wait3A_57 = tpu.memref_squeeze %dma_wait3A_56 : memref<1x10240xf32, #tpu.memory_space<hbm>> -> memref<10240xf32, #tpu.memory_space<hbm>>
        %dma_wait3A_58 = arith.constant 0 : i32
        %dma_wait3A_59 = tpu.memref_slice %arg7[%arg1, %dma_wait3A_58] : memref<16x10240xf32, #tpu.memory_space<hbm>> -> memref<1x10240xf32, #tpu.memory_space<hbm>>
        %dma_wait3A_60 = tpu.memref_squeeze %dma_wait3A_59 : memref<1x10240xf32, #tpu.memory_space<hbm>> -> memref<10240xf32, #tpu.memory_space<hbm>>
        tpu.wait_dma2 semaphore(%run_scoped3A : memref<!tpu.dma_semaphore, #tpu.memory_space<semaphore_mem>>) src(%arg12 : memref<10240xf32, #tpu.memory_space<vmem>>) dst(%dma_wait3A_60 : memref<10240xf32, #tpu.memory_space<hbm>>)
        tpu.yield
      }) : () -> ()
    } else {
    }
    return
  }
}

module attributes {stable_mosaic.version = 14 : i64} {
  func.func @_tc_body(%arg0: i32, %arg1: memref<640x128xf32, #tpu.memory_space<vmem>>, %arg2: memref<640x128xf32, #tpu.memory_space<vmem>>, %arg3: memref<16x640xf32, #tpu.memory_space<vmem>>, %arg4: memref<640x256xf32, #tpu.memory_space<vmem>>, %arg5: memref<128x256xf32, #tpu.memory_space<vmem>>, %arg6: memref<128x256xf32, #tpu.memory_space<vmem>>, %arg7: memref<1x256xf32, #tpu.memory_space<vmem>>, %arg8: memref<640x256xf32, #tpu.memory_space<vmem>>) attributes {dimension_semantics = [#tpu.dimension_semantics<arbitrary>], iteration_bounds = array<i64: 16>, scalar_prefetch = 0 : i64, scratch_operands = 0 : i64, tpu.core_type = #tpu.core_type<tc>, window_params = [{transform_indices = @transform_0, window_bounds = array<i64: 640, 128>}, {transform_indices = @transform_1, window_bounds = array<i64: 640, 128>}, {transform_indices = @transform_2, window_bounds = array<i64: 16, 640>}, {transform_indices = @transform_3, window_bounds = array<i64: 640, 256>}, {pipeline_mode = #tpu.pipeline_mode<synchronous>, transform_indices = @transform_4, window_bounds = array<i64: 128, 256>}, {pipeline_mode = #tpu.pipeline_mode<synchronous>, transform_indices = @transform_5, window_bounds = array<i64: 128, 256>}, {pipeline_mode = #tpu.pipeline_mode<synchronous>, transform_indices = @transform_6, window_bounds = array<i64: 1, 256>}, {transform_indices = @transform_7, window_bounds = array<i64: 640, 256>}]} {
    %get3A = arith.constant 0 : index
    %get3A_0 = arith.constant 0 : index
    %get3A_1 = vector.load %arg3[%get3A, %get3A_0] : memref<16x640xf32, #tpu.memory_space<vmem>>, vector<16x640xf32>
    %reduce_sum3A = arith.constant dense<0.000000e+00> : vector<640xf32>
    %reduce_sum3A_2 = vector.multi_reduction <add>, %get3A_1, %reduce_sum3A [0] : vector<16x640xf32> to vector<640xf32>
    %broadcast_in_dim3A = vector.shape_cast %reduce_sum3A_2 : vector<640xf32> to vector<640x1xf32>
    %max3A = arith.constant 1.000000e+00 : f32
    %max3A_3 = vector.broadcast %max3A : f32 to vector<640x1xf32>
    %max3A_4 = arith.maximumf %broadcast_in_dim3A, %max3A_3 : vector<640x1xf32>
    %div3A = arith.constant 1.000000e+00 : f32
    %div3A_5 = vector.broadcast %div3A : f32 to vector<640x1xf32>
    %div3A_6 = arith.divf %div3A_5, %max3A_4 : vector<640x1xf32>
    %get3A_7 = arith.constant 0 : index
    %get3A_8 = arith.constant 0 : index
    %get3A_9 = vector.load %arg1[%get3A_7, %get3A_8] : memref<640x128xf32, #tpu.memory_space<vmem>>, vector<640x128xf32>
    %mul3A = vector.broadcast %div3A_6 : vector<640x1xf32> to vector<640x128xf32>
    %mul3A_10 = arith.mulf %get3A_9, %mul3A : vector<640x128xf32>
    %get3A_11 = arith.constant 0 : index
    %get3A_12 = arith.constant 0 : index
    %get3A_13 = vector.load %arg5[%get3A_11, %get3A_12] : memref<128x256xf32, #tpu.memory_space<vmem>>, vector<128x256xf32>
    %dot_general3A = arith.constant dense<0.000000e+00> : vector<640x256xf32>
    %dot_general3A_14 = tpu.matmul %mul3A_10, %get3A_13, %dot_general3A {dimension_numbers = #tpu.dot_dimension_numbers<[1], [0], [0], [1], [0, 0, 1, 1], [], []>, transpose_lhs_hint = false} : vector<640x128xf32>, vector<128x256xf32>, vector<640x256xf32> -> vector<640x256xf32>
    %get3A_15 = arith.constant 0 : index
    %get3A_16 = arith.constant 0 : index
    %get3A_17 = vector.load %arg2[%get3A_15, %get3A_16] : memref<640x128xf32, #tpu.memory_space<vmem>>, vector<640x128xf32>
    %mul3A_18 = vector.broadcast %div3A_6 : vector<640x1xf32> to vector<640x128xf32>
    %mul3A_19 = arith.mulf %get3A_17, %mul3A_18 : vector<640x128xf32>
    %get3A_20 = arith.constant 0 : index
    %get3A_21 = arith.constant 0 : index
    %get3A_22 = vector.load %arg6[%get3A_20, %get3A_21] : memref<128x256xf32, #tpu.memory_space<vmem>>, vector<128x256xf32>
    %dot_general3A_23 = arith.constant dense<0.000000e+00> : vector<640x256xf32>
    %dot_general3A_24 = tpu.matmul %mul3A_19, %get3A_22, %dot_general3A_23 {dimension_numbers = #tpu.dot_dimension_numbers<[1], [0], [0], [1], [0, 0, 1, 1], [], []>, transpose_lhs_hint = false} : vector<640x128xf32>, vector<128x256xf32>, vector<640x256xf32> -> vector<640x256xf32>
    %add3A = arith.addf %dot_general3A_14, %dot_general3A_24 : vector<640x256xf32>
    %get3A_25 = arith.constant 0 : index
    %get3A_26 = arith.constant 0 : index
    %get3A_27 = vector.load %arg7[%get3A_25, %get3A_26] : memref<1x256xf32, #tpu.memory_space<vmem>>, vector<1x256xf32>
    %add3A_28 = vector.broadcast %get3A_27 : vector<1x256xf32> to vector<640x256xf32>
    %add3A_29 = arith.addf %add3A, %add3A_28 : vector<640x256xf32>
    %get3A_30 = arith.constant 0 : index
    %get3A_31 = arith.constant 0 : index
    %get3A_32 = vector.load %arg4[%get3A_30, %get3A_31] : memref<640x256xf32, #tpu.memory_space<vmem>>, vector<640x256xf32>
    %add3A_33 = arith.addf %add3A_29, %get3A_32 : vector<640x256xf32>
    %max3A_34 = arith.constant 0.000000e+00 : f32
    %max3A_35 = vector.broadcast %max3A_34 : f32 to vector<640x256xf32>
    %max3A_36 = arith.maximumf %add3A_33, %max3A_35 : vector<640x256xf32>
    %swap3A = arith.constant 0 : index
    %swap3A_37 = arith.constant 0 : index
    %swap3A_38 = vector.load %arg8[%swap3A, %swap3A_37] : memref<640x256xf32, #tpu.memory_space<vmem>>, vector<640x256xf32>
    tpu.vector_store %arg8[%swap3A, %swap3A_37], %max3A_36 {strides = array<i32>} : memref<640x256xf32, #tpu.memory_space<vmem>>, vector<640x256xf32>,
    return
  }
  func.func @transform_0(%arg0: i32) -> (i32, i32) {
    %c0_i32 = arith.constant 0 : i32
    %c0_i32_0 = arith.constant 0 : i32
    return %arg0, %c0_i32 : i32, i32
  }
  func.func @transform_1(%arg0: i32) -> (i32, i32) {
    %add3A = arith.constant 16 : i32
    %add3A_0 = arith.addi %arg0, %add3A : i32
    %c0_i32 = arith.constant 0 : i32
    %c0_i32_1 = arith.constant 0 : i32
    return %add3A_0, %c0_i32 : i32, i32
  }
  func.func @transform_2(%arg0: i32) -> (i32, i32) {
    %c0_i32 = arith.constant 0 : i32
    %c0_i32_0 = arith.constant 0 : i32
    return %c0_i32, %arg0 : i32, i32
  }
  func.func @transform_3(%arg0: i32) -> (i32, i32) {
    %c0_i32 = arith.constant 0 : i32
    %c0_i32_0 = arith.constant 0 : i32
    return %arg0, %c0_i32 : i32, i32
  }
  func.func @transform_4(%arg0: i32) -> (i32, i32) {
    %c0_i32 = arith.constant 0 : i32
    %c0_i32_0 = arith.constant 0 : i32
    %c0_i32_1 = arith.constant 0 : i32
    return %c0_i32, %c0_i32_0 : i32, i32
  }
  func.func @transform_5(%arg0: i32) -> (i32, i32) {
    %c0_i32 = arith.constant 0 : i32
    %c0_i32_0 = arith.constant 0 : i32
    %c0_i32_1 = arith.constant 0 : i32
    return %c0_i32, %c0_i32_0 : i32, i32
  }
  func.func @transform_6(%arg0: i32) -> (i32, i32) {
    %c0_i32 = arith.constant 0 : i32
    %c0_i32_0 = arith.constant 0 : i32
    %c0_i32_1 = arith.constant 0 : i32
    return %c0_i32, %c0_i32_0 : i32, i32
  }
  func.func @transform_7(%arg0: i32) -> (i32, i32) {
    %c0_i32 = arith.constant 0 : i32
    %c0_i32_0 = arith.constant 0 : i32
    return %arg0, %c0_i32 : i32, i32
  }
}

</mosaic_0001>

<sc_bundles>
// kernel: kernel.4.cloned.1.call-start
scs
__scs_entry_jumppad:
0x0: {  	(pc) =	sbr.rel $0x88, $3  }
0x1: {  	(tag) =	ssettag $0x0;
	lr =	simm.s32 $0x1  }
0x2: {  	[smem:$0x3F9D] =	sst lr;
	_ =	strace $0xD0000000  }
0x3: {  	_ = 	snop  }
0x4: {  	_ = 	snop  }
0x5: {  	_ = 	snop  }
0x6: {  	_ = 	snop  }
0x7: {  	_ = 	snop  }
__scs_overlays_trampoline_lowered:
0x8: {  	[smem:$0x3FAC] =	sst s0  }
0x9: {  	[smem:$0x3FAD] =	sst s1  }
0xa: {  	[smem:$0x3FAE] =	sst s2  }
0xb: {  	[smem:$0x3FAF] =	sst s3  }
0xc: {  	[smem:$0x3FB0] =	sst s4  }
0xd: {  	[smem:$0x3FB1] =	sst s5  }
0xe: {  	[smem:$0x3FB2] =	sst s6  }
0xf: {  	[smem:$0x3FB3] =	sst s7  }
0x10: {  	[smem:$0x3FB4] =	sst s8  }
0x11: {  	[smem:$0x3FB5] =	sst s9;
	s0 =	simm.s32 @!p0 $0x0  }
0x12: {  	s1 =	sld [smem:$0x3F9B];
	s0 =	simm.s32 @p0 $0x1  }
0x13: {  	[smem:$0x3FB6] =	sst s0;
	s0 =	simm.s32 @!p1 $0x0  }
0x14: {  	s2 =	sld [smem:$0x3F9A];
	s0 =	simm.s32 @p1 $0x1  }
0x15: {  	[smem:$0x3FB7] =	sst s0;
	s0 =	simm.s32 @!p2 $0x0  }
0x16: {  	s3 =	sld [smem:$0x3FDB];
	s0 =	simm.s32 @p2 $0x1  }
0x17: {  	s4 =	simm.s32 $0x1BF5;
	[smem:$0x3FB9] =	sst s0  }
0x18: {  	s0 =	sld [smem:$0x3F9C];
	_ =	swait.ge [sflag:s4], $0x0  }
0x19: {  	s7 =	sld [smem:$0x3F9D]  }
0x1a: {  	s8 =	sadd.s32 $0xFFFFE003, lr  }
0x1b: {  	s9 =	sadd.s32 $0xFFFFFEF7, lr;
	s5 =	simm.s32 $0xFFFFFFFF;
	p2 =	slt.u32 s8, $0xFFFFF086  }
0x1c: {  	p1 =	slt.u32 s9, $0xF7A;
	s5 =	simm.s32 @!p2 $0x0  }
0x1d: {  	s5 =	simm.s32 @p1 $0x1;
	p0 =	seq.s32 s7, s2  }
0x1e: {  	s7 =	smul.u32 @!p0 $0xF7A, s2;
	p2 =	seq.s32 @!p0 s5, $0x0  }
0x1f: {  	s9 =	smul.u32 $0xF7A, s1;
	s8 =	simm.s32 @!p0 $0x1BF5;
	p2 =	por !p2, p0  }
0x20: {  	[sflag:s8] =	ssyncset.s32 @!p0 $0xFFFFF086;
	s6 =	sadd.s32 @!p0 s3, s7;
	s7 =	simm.s32 @!p0 $0x108  }
0x21: {  	s3 =	sadd.s32 s3, s9;
	s6 =	sadd.s32 @!p0 $0x88, s6;
	s7 =	simm.s32 @p2 $0x1082  }
0x22: {  	[simem:s7], [sflag:s8] =	dma.local @!p0 [hbm:s6], $0xF7A  }
0x23: {  	s9 =	sor.u32 $0xD0000000, s2;
	s6 =	simm.s32 $0x108;
	_ =	swait.ge @!p0 [sflag:s8], $0x0  }
0x24: {  	s3 =	sadd.s32 $0x88, s3;
	s6 =	simm.s32 @!p1 $0x1082;
	[sflag:s4] =	ssyncset.s32 $0xFFFFF086  }
0x25: {  	[simem:s6], [sflag:s4] =	dma.local [hbm:s3], $0xF7A  }
0x26: {  	[smem:$0x3F9D] =	sst s1;
	(tag) =	ssettag s2;
	_ =	strace s9  }
0x27: {  	s1 =	sld [smem:$0x3FAD]  }
0x28: {  	s2 =	sld [smem:$0x3FAE]  }
0x29: {  	s4 =	sld [smem:$0x3FB0]  }
0x2a: {  	p0 =	seq.s32 s5, $0x0;
	s5 =	sld [smem:$0x3FB1]  }
0x2b: {  	s6 =	sld [smem:$0x3FB2]  }
0x2c: {  	s7 =	sld [smem:$0x3FB3]  }
0x2d: {  	s3 =	simm.s32 $0x108;
	s8 =	sld [smem:$0x3FB4]  }
0x2e: {  	s3 =	simm.s32 @!p0 $0x1082;
	s9 =	sld [smem:$0x3FB5]  }
0x2f: {  	lr =	sadd.s32 s0, s3;
	s0 =	sld [smem:$0x3FAC]  }
0x30: {  	s3 =	sld [smem:$0x3FAF]  }
0x31: {  	[smem:$0x3FB8] =	sst s10  }
0x32: {  	s10 =	sld [smem:$0x3FB6];
	_ =	sdelay $0x3  }
0x33: {  	p0 =	seq.s32 s10, $0x1;
	s10 =	sld [smem:$0x3FB8];
	_ =	sdelay $0x3  }
0x34: {  	[smem:$0x3FB8] =	sst s10  }
0x35: {  	s10 =	sld [smem:$0x3FB7];
	_ =	sdelay $0x3  }
0x36: {  	p1 =	seq.s32 s10, $0x1;
	s10 =	sld [smem:$0x3FB8];
	_ =	sdelay $0x3  }
0x37: {  	[smem:$0x3FB8] =	sst s10  }
0x38: {  	s10 =	sld [smem:$0x3FB9]  }
0x39: {  	_ = 	snop;
	(pc) =	sbr.ind lr, $3  }
0x3a: {  	_ = 	snop  }
0x3b: {  	_ = 	snop  }
0x3c: {  	p2 =	seq.s32 s10, $0x1;
	s10 =	sld [smem:$0x3FB8]  }
0x3d: {  	_ =	shalt  }
0x3e: {  	_ =	shalt  }
0x3f: {  	_ =	shalt  }
0x40: {  	_ =	shalt  }
0x41: {  	_ =	shalt  }
0x42: {  	_ =	shalt  }
0x43: {  	_ =	shalt  }
0x44: {  	_ =	shalt  }
0x45: {  	_ =	shalt  }
0x46: {  	_ =	shalt  }
0x47: {  	_ =	shalt  }
0x48: {  	_ =	shalt  }
0x49: {  	_ =	shalt  }
0x4a: {  	_ =	shalt  }
0x4b: {  	_ =	shalt  }
0x4c: {  	_ =	shalt  }
0x4d: {  	_ =	shalt  }
0x4e: {  	_ =	shalt  }
0x4f: {  	_ =	shalt  }
0x50: {  	_ =	shalt  }
0x51: {  	_ =	shalt  }
0x52: {  	_ =	shalt  }
0x53: {  	_ =	shalt  }
0x54: {  	_ =	shalt  }
0x55: {  	_ =	shalt  }
0x56: {  	_ =	shalt  }
0x57: {  	_ =	shalt  }
0x58: {  	_ =	shalt  }
0x59: {  	_ =	shalt  }
0x5a: {  	_ =	shalt  }
0x5b: {  	_ =	shalt  }
0x5c: {  	_ =	shalt  }
0x5d: {  	_ =	shalt  }
0x5e: {  	_ =	shalt  }
0x5f: {  	_ =	shalt  }
0x60: {  	_ =	shalt  }
0x61: {  	_ =	shalt  }
0x62: {  	_ =	shalt  }
0x63: {  	_ =	shalt  }
0x64: {  	_ =	shalt  }
0x65: {  	_ =	shalt  }
0x66: {  	_ =	shalt  }
0x67: {  	_ =	shalt  }
0x68: {  	_ =	shalt  }
0x69: {  	_ =	shalt  }
0x6a: {  	_ =	shalt  }
0x6b: {  	_ =	shalt  }
0x6c: {  	_ =	shalt  }
0x6d: {  	_ =	shalt  }
0x6e: {  	_ =	shalt  }
0x6f: {  	_ =	shalt  }
0x70: {  	_ =	shalt  }
0x71: {  	_ =	shalt  }
0x72: {  	_ =	shalt  }
0x73: {  	_ =	shalt  }
0x74: {  	_ =	shalt  }
0x75: {  	_ =	shalt  }
0x76: {  	_ =	shalt  }
0x77: {  	_ =	shalt  }
0x78: {  	_ =	shalt  }
0x79: {  	_ =	shalt  }
0x7a: {  	_ =	shalt  }
0x7b: {  	_ =	shalt  }
0x7c: {  	_ =	shalt  }
0x7d: {  	_ =	shalt  }
0x7e: {  	_ =	shalt  }
0x7f: {  	_ =	shalt  }
0x80: {  	_ =	shalt  }
0x81: {  	_ =	shalt  }
0x82: {  	_ =	shalt  }
0x83: {  	_ =	shalt  }
0x84: {  	_ =	shalt  }
0x85: {  	_ =	shalt  }
0x86: {  	_ =	shalt  }
0x87: {  	_ =	shalt  }
.Lfunc_end0:
.L_simem_size_0:
called_computation_lowered:
.L_overlay_start_0:
0x88: {  	s2 =	sld [smem:$0x3FD9]  }
0x89: {  	s3 =	sld [smem:$0x3FFE];
	_ =	sdelay $0x1  }
0x8a: {  	s1 =	srdreg.scid  }
0x8b: {  	s0 =	sand.u32 $0x1, s1  }
0x8c: {  	s17 =	sshll.u32 s0, $0xA;
	s2 =	sadd.s32 s3, s2  }
0x8d: {  	s2 =	sadd.s32 s2, s17  }
0x8e: {  	[smem:$0x3FC4] =	sst s2  }
0x8f: {  	_ = 	snop  }
0x90: {  	s2 =	sld [smem:$0x3FC9]  }
0x91: {  	s18 =	sld [smem:$0x3FD0];
	(tm) =	ssettm $0x1  }
0x92: {  	s4 =	sld [smem:$0x3FFB];
	_ =	sdelay $0x3  }
0x93: {  	_ =	strace s4  }
0x94: {  	s4 =	sld [smem:$0x3FFC];
	_ =	sdelay $0x3  }
0x95: {  	_ =	strace s4  }
0x96: {  	s4 =	sld [smem:$0x3FFD];
	_ =	sdelay $0x3  }
0x97: {  	_ =	strace s4  }
0x98: {  	_ =	strace $0x8FFFFFFF  }
0x99: {  	s19 =	sld [smem:$0x3FDB];
	_ =	sdelay $0x1  }
0x9a: {  	s5 =	simm.s32 $_scs_section_size  }
0x9b: {  	s6 =	simm.s32 $_size__tile_overlayer_lowered;
	s7 =	simm.s32 $_tile_overlayer_lowered  }
0x9c: {  	s22 =	simm.s32 $0x1BFF;
	s21 =	sshll.u32 s7, $0x1;
	s4 =	sadd.s32 s5, s19  }
0x9d: {  	s8 =	simm.s32 $0x0;
	s20 =	sshll.u32 s6, $0x1;
	s6 =	sadd.s32 s21, s4  }
0x9e: {  	[timem:s8], [sflag:s22] =	dma.local [hbm:s6], s20  }
0x9f: {  	_ =	swait.ge [sflag:s22], s20  }
0xa0: {  	s5 =	ssub.s32 $0x0, s20;
	[sflag:s22] =	ssyncset.done $0x0  }
0xa1: {  	[sflag:s22] =	ssyncadd.s32 s5;
	_ =	sdelay $0x1  }
0xa2: {  	s23 =	simm.s32 $0x1B8B  }
0xa3: {  	_ =	swait.ge [sflag:s23], $0x1  }
0xa4: {  	[sflag:s23] =	ssyncset.done $0x0  }
0xa5: {  	s25 =	simm.s32 $0x1B8E;
	s24 =	sld [smem:$0x3FFE];
	[sflag:s23] =	ssyncadd.s32 $0xFFFFFFFF  }
0xa6: {  	s26 =	simm.s32 $execute0_lowered;
	[smem:$0x3FD2] =	sst s25  }
0xa7: {  	s6 =	sshll.u32 s26, $0x1;
	_ =	strace $0x80000046;
	[dreg:$0x1] =	wrdreg $0xFFFFFFFF  }
0xa8: {  	s28 =	simm.s32 $_size_execute0_lowered;
	s4 =	sadd.s32 s4, s6;
	[dreg:$0x0] =	wrdreg $0x0  }
0xa9: {  	s6 =	sshll.u32 s28, $0x1;
	[dreg:$0x2] =	wrdreg s4  }
0xaa: {  	[dreg:$0x3] =	wrdreg s6  }
0xab: {  	[dreg:$0x4] =	wrdreg $0xC0  }
0xac: {  	_ =	task [dreg:s8], $0x5FFFF  }
0xad: {  	[dreg:$0x1] =	wrdreg $0xFFFFFFFF  }
0xae: {  	[dreg:$0x0] =	wrdreg $0x60  }
0xaf: {  	[dreg:$0x2] =	wrdreg s2  }
0xb0: {  	[dreg:$0x3] =	wrdreg s18  }
0xb1: {  	[dreg:$0x4] =	wrdreg s24  }
0xb2: {  	[dreg:$0x5] =	wrdreg $0xAA000  }
0xb3: {  	[dreg:$0x6] =	wrdreg $0x9  }
0xb4: {  	_ =	task.clear_ibuf [dreg:s8], $0x7FFFF;
	_ =	strace $0x90000046  }
0xb5: {  	s29 =	simm.s32 $0x9;
	_ =	strace $0x80000048  }
0xb6: {  	_ =	swait.ge [sflag:s29], $0x1  }
0xb7: {  	[sflag:s29] =	ssyncadd.s32 $0xFFFFFFFF  }
0xb8: {  	_ =	strace $0x90000048  }
0xb9: {  	_ =	sfence  }
0xba: {  	s30 =	sld [smem:$0x0];
	_ =	sdelay $0x2  }
0xbb: {  	s31 =	sshll.u32 s1, $0xD;
	s1 =	sshrl.u32 s1, $0x2  }
0xbc: {  	s3 =	sand.u32 $0x4000, s31;
	s1 =	sadd.s32 s1, s30  }
0xbd: {  	s0 =	sor.u32 s3, s0;
	s1 =	sshll.u32 s1, $0x11  }
0xbe: {  	s0 =	sor.u32 s1, s0  }
0xbf: {  	s0 =	sadd.s32 $0x8F2B, s0  }
0xc0: {  	[sflag:s0] =	ssyncadd.remote.s32 $0x1  }
0xc1: {  	_ =	sfence.sel $0xFFFF  }
0xc2: {  	[dreg:$0x0] =	wrdreg $0xFFFFFFFF;
	(pc) =	sbr.abs _section_cstart, $3  }
0xc3: {  	[dreg:$0x1] =	wrdreg $0xFFFFFFFF  }
0xc4: {  	_ =	task.clear_ibuf [dreg:s8], $0x2FFFF;
	_ =	strace $0x9FFFFFFF  }
0xc5: {  	(tm) =	ssettm $0x7FFFFFFF  }
tec
execute0_lowered:
.L_overlay_start_1:
0x0: {  	(tag) =	ssettag $0x1  }
0x1: {  	s0 =	rddreg [dreg:$0x0]  }
0x2: {  	s1 =	rddreg [dreg:$0x1]  }
0x3: {  	s4 =	rddreg [dreg:$0x2]  }
0x4: {  	s2 =	rddreg [dreg:$0x3];
	s3 =	simm.s32 $0x0;
	s5 =	srdreg.scid  }
0x5: {  	s12 =	stileid.u32;
	s28 =	simm.s32 $0x280;
	s29 =	simm.s32 $0x7F00  }
0x6: {  	s30 =	simm.s32 $0x7E80;
	s31 =	simm.s32 $0x7D80;
	[smem:$0x7FF] =	sst s3  }
0x7: {  	s5 =	sand.u32 $0x1, s5;
	s6 =	smul.u32 $0x2800, s12;
	s8 =	sshrl.u32 s12, $0x3  }
0x8: {  	s9 =	sadd.s32 $0x1C00, s4;
	s11 =	sshll.u32 s12, $0x7;
	s15 =	smul.u32 $0x50000, s12  }
0x9: {  	s10 =	sadd.s32 $0x1600, s4;
	s19 =	sshll.u32 s12, $0x6;
	s23 =	smul.u32 $0xA00, s12  }
0xa: {  	_ =	strace $0x80000047;
	s7 =	smul.u32 $0x28000, s5;
	[dreg:$0x5] =	wrdreg s9  }
0xb: {  	s8 =	smul.u32 $0x14000, s8;
	[dreg:$0x6] =	wrdreg s10;
	s13 =	sand.u32 $0x380, s11  }
0xc: {  	s14 =	ssub.s32 $0x2, s5;
	s11 =	smul.u32 $0x5000, s12;
	s9 =	sor.u32 $0x1C05, s19  }
0xd: {  	s22 =	sshll.u32 s5, $0x7;
	s19 =	simm.s32 $0x200;
	p0 =	sne.s32 s5, $0x0  }
0xe: {  	s12 =	simm.s32 $0x4200;
	s5 =	simm.s32 $0x7C00;
	s10 =	simm.s32 $0x7A80  }
0xf: {  	s16 =	sshrl.u32 s14, $0x1;
	s18 =	sshrl.u32 s15, $0x2;
	[dreg:$0xd] =	wrdreg s9  }
0x10: {  	s15 =	simm.s32 $0x5;
	s6 =	sadd.s32 s6, s7;
	s7 =	sor.u32 s13, s8  }
0x11: {  	s17 =	ssub.s32 s14, s16;
	s20 =	sshrl.u32 s11, $0x3;
	s8 =	sadd.s32 s18, s2  }
0x12: {  	s13 =	sadd.s32 s23, s1;
	s16 =	simm.s32 $0x8200;
	s18 =	simm.s32 $0x1  }
0x13: {  	s11 =	simm.s32 $0x2;
	s14 =	simm.s32 $0x80;
	s7 =	sshrl.u32 s7, $0x3  }
0x14: {  	s6 =	sadd.s32 s6, s4;
	s21 =	sadd.s32 s1, s20;
	s26 =	smax.u32 s17, $0x1  }
0x15: {  	s1 =	simm.s32 $0x7D00;
	s17 =	simm.s32 $0x7B00;
	s20 =	simm.s32 $0x4  }
0x16: {  	v0 =	vimm.s32 $0x7;
	s4 =	sadd.s32 s7, s4;
	[dreg:$0x7] =	wrdreg s21;
	s9 =	sadd.s32 $0x20, s21  }
0x17: {  	v1 =	vimm.s32 $0x1;
	v2 =	vimm.s32 $0x0;
	v3 =	vlaneseq.u32;
	s24 =	sadd.s32 $0x4400, s6;
	[dreg:$0xb] =	wrdreg s26;
	s26 =	simm.s32 $0x100  }
.Ltmp0:
0x18: {  	vm0 =	vmmov $0x1;
	v4 =	vimm.s32 $0x2;
	v5 =	vimm.s32 $0x3;
	s7 =	simm.s32 $0x8180;
	s6 =	simm.s32 $0x3;
	(pc) =	sbr.rel .LBB2_1-.Ltmp0, $4  }
0x19: {  	v6 =	vimm.s32 $0x4;
	v7 =	vimm.s32 $0x5;
	v8 =	vimm.s32 $0x6;
	s21 =	simm.s32 $0x180;
	[dreg:$0x8] =	wrdreg s9;
	s9 =	sadd.s32 s0, s22  }
0x1a: {  	v9 =	vimm.s32 $0x8;
	v10 =	vimm.s32 $0x9;
	v11 =	vimm.s32 $0xA;
	[dreg:$0x9] =	wrdreg s24;
	s25 =	sadd.s32 $0x54400, s4;
	s0 =	simm.s32 $0x7E00  }
0x1b: {  	v12 =	vimm.s32 $0xB;
	v13 =	vimm.s32 $0xC;
	v14 =	vimm.s32 $0xD;
	s4 =	simm.s32 $0x7C80;
	s22 =	simm.s32 $0x0;
	[dreg:$0xa] =	wrdreg s25  }
0x1c: {  	v15 =	vimm.s32 $0xE;
	v16 =	vimm.s32 $0xF;
	v3 =	vmul.u32 $0x8, v3;
	s25 =	sshrl.u32 s8, $0x3;
	s8 =	simm.s32 $0x7A00;
	[dreg:$0xc] =	wrdreg s22  }
.LBB2_6:
0x1d: {  	[bflag:$0x0] =	sbarrier.arrive $0xFFFF  }
0x1e: {  	s22 =	rddreg [dreg:$0x9]  }
0x1f: {  	s23 =	rddreg [dreg:$0xd]  }
0x20: {  	[hbm:s22], [sflag:s23] =	dma.local [spmem:s25], $0x2800  }
0x21: {  	_ =	swait.ge [sflag:s15], $0x2800  }
0x22: {  	s24 =	simm.s32 @!p0 $0x8200;
	s22 =	simm.s32 @!p0 $0x80;
	[sflag:s15] =	ssyncset.done $0x0  }
0x23: {  	s23 =	simm.s32 @!p0 $0x400;
	s26 =	rddreg [dreg:$0xa];
	[sflag:s15] =	ssyncadd.s32 $0xFFFFD800  }
0x24: {  	[hbm4b:s26+s22] =	stream.strided.scatter @!p0 [tilespmem:s24], [sflag:$0x5], $0x2800, s23, s22, $0x38;
	[tilespmem:$0x1EA00] =	vst v63  }
0x25: {  	s22 =	simm.s32 @!p0 $0x5  }
0x26: {  	_ =	swait.ge @!p0 [sflag:s22], $0x2800  }
0x27: {  	s23 =	rddreg [dreg:$0xc]  }
0x28: {  	s24 =	sadd.s32 $0x1, s23;
	s23 =	rddreg [dreg:$0xb]  }
0x29: {  	p1 =	sne.s32 s24, s23  }
.Ltmp1:
0x2a: {  	_ = 	snop;
	(pc) =	sbr.rel @!p1 .LBB2_7-.Ltmp1, $3  }
0x2b: {  	_ =	sdelay $0x1  }
0x2c: {  	s28 =	simm.s32 $0x280;
	[sflag:s22] =	ssyncset.done @!p0 $0x0  }
0x2d: {  	s26 =	simm.s32 $0x100;
	[sflag:s22] =	ssyncadd.s32 @!p0 $0xFFFFD800;
	[dreg:$0xc] =	wrdreg s24  }
.LBB2_1:
0x2e: {  	s22 =	rddreg [dreg:$0x5]  }
0x2f: {  	s23 =	rddreg [dreg:$0xd]  }
0x30: {  	[spmem:s25], [sflag:s23] =	dma.local [hbm:s22], $0x2800  }
0x31: {  	_ =	swait.ge [sflag:s15], $0x2800  }
0x32: {  	[sflag:s15] =	ssyncset.done $0x0  }
0x33: {  	s24 =	rddreg [dreg:$0x6];
	[sflag:s15] =	ssyncadd.s32 $0xFFFFD800  }
0x34: {  	[tilespmem:s16], [sflag:$0x5] =	stream.linear.gather [hbm4b:s24+s3], $0x2800, $0x38;
	[tilespmem:$0x1EA00] =	vst v63  }
0x35: {  	_ =	swait.ge [sflag:s15], $0x2800  }
0x36: {  	[sflag:s15] =	ssyncset.done $0x0  }
0x37: {  	[sflag:s15] =	ssyncadd.s32 $0xFFFFD800  }
0x38: {  	[bflag:$0x0] =	sbarrier.arrive $0xFFFF  }
0x39: {  	s23 =	rddreg [dreg:$0x7]  }
0x3a: {  	[tilespmem:s3], [sflag:$0x1] =	stream.linear.gather [hbm4b:s23+s3], $0x100, $0x38;
	[tilespmem:$0x1EA00] =	vst v63  }
0x3b: {  	s24 =	rddreg [dreg:$0x8]  }
0x3c: {  	[tilespmem:s26], [sflag:$0x2] =	stream.linear.gather [hbm4b:s24+s3], $0x100, $0x38;
	[tilespmem:$0x1EA00] =	vst v63  }
0x3d: {  	_ =	swait.ge [sflag:s18], $0x100  }
0x3e: {  	[sflag:s18] =	ssyncset.done $0x0  }
0x3f: {  	[sflag:s18] =	ssyncadd.s32 $0xFFFFFF00  }
0x40: {  	v17 =	vld [tilespmem:$0x0];
	_ =	sdelay $0x4  }
0x41: {  	v18 =	vshll.u32 v17, $0x1  }
0x42: {  	v17 =	vand.u32 $0x7, v17;
	v18 =	vand.u32 $0xFFFFFFF0, v18  }
0x43: {  	v17 =	vor.u32 v17, v18  }
0x44: {  	v18 =	vperm.xlane v17, v2;
	_ =	sdelay $0x1  }
0x45: {  	v19 =	vperm.xlane v17, v1;
	v18 =	vadd.s32 v3, v18;
	_ =	sdelay $0x1  }
0x46: {  	v20 =	vperm.xlane v17, v4;
	v19 =	vadd.s32 v3, v19;
	_ =	sdelay $0x1  }
0x47: {  	v21 =	vperm.xlane v17, v5;
	v20 =	vadd.s32 v3, v20  }
0x48: {  	[tilespmem:s19], [sflag:$0x3] =	stream.indirect_vreg.gather [hbm4b:s9+s3], $0x80, v18, vm0, $0xb8;
	[tilespmem:$0x1EA00] =	vst v63  }
0x49: {  	v50 =	vperm.xlane v17, v6;
	v18 =	vadd.s32 v3, v21  }
0x4a: {  	[tilespmem:s28], [sflag:$0x3] =	stream.indirect_vreg.gather [hbm4b:s9+s3], $0x80, v19, vm0, $0xb8;
	[tilespmem:$0x1EA00] =	vst v63  }
0x4b: {  	s23 =	simm.s32 $0x300;
	v51 =	vperm.xlane v17, v7;
	v19 =	vadd.s32 v3, v50  }
0x4c: {  	[tilespmem:s23], [sflag:$0x3] =	stream.indirect_vreg.gather [hbm4b:s9+s3], $0x80, v20, vm0, $0xb8;
	[tilespmem:$0x1EA00] =	vst v63  }
0x4d: {  	s24 =	simm.s32 $0x380;
	v53 =	vperm.xlane v17, v8;
	v52 =	vadd.s32 v3, v51  }
0x4e: {  	[tilespmem:s24], [sflag:$0x3] =	stream.indirect_vreg.gather [hbm4b:s9+s3], $0x80, v18, vm0, $0xb8;
	[tilespmem:$0x1EA00] =	vst v63  }
0x4f: {  	v54 =	vperm.xlane v17, v0;
	s23 =	simm.s32 $0x400;
	v18 =	vadd.s32 v3, v53  }
0x50: {  	[tilespmem:s23], [sflag:$0x3] =	stream.indirect_vreg.gather [hbm4b:s9+s3], $0x80, v19, vm0, $0xb8;
	[tilespmem:$0x1EA00] =	vst v63  }
0x51: {  	v55 =	vperm.xlane v17, v9;
	s24 =	simm.s32 $0x480;
	v19 =	vadd.s32 v3, v54  }
0x52: {  	[tilespmem:s24], [sflag:$0x3] =	stream.indirect_vreg.gather [hbm4b:s9+s3], $0x80, v52, vm0, $0xb8;
	[tilespmem:$0x1EA00] =	vst v63  }
0x53: {  	v57 =	vperm.xlane v17, v10;
	v56 =	vadd.s32 v3, v55;
	s23 =	simm.s32 $0x500  }
0x54: {  	[tilespmem:s23], [sflag:$0x3] =	stream.indirect_vreg.gather [hbm4b:s9+s3], $0x80, v18, vm0, $0xb8;
	[tilespmem:$0x1EA00] =	vst v63  }
0x55: {  	v58 =	vperm.xlane v17, v11;
	s24 =	simm.s32 $0x580;
	v18 =	vadd.s32 v3, v57  }
0x56: {  	[tilespmem:s24], [sflag:$0x3] =	stream.indirect_vreg.gather [hbm4b:s9+s3], $0x80, v19, vm0, $0xb8;
	[tilespmem:$0x1EA00] =	vst v63  }
0x57: {  	v59 =	vperm.xlane v17, v12;
	s23 =	simm.s32 $0x600;
	v19 =	vadd.s32 v3, v58  }
0x58: {  	[tilespmem:s23], [sflag:$0x3] =	stream.indirect_vreg.gather [hbm4b:s9+s3], $0x80, v56, vm0, $0xb8;
	[tilespmem:$0x1EA00] =	vst v63  }
0x59: {  	v61 =	vperm.xlane v17, v13;
	v60 =	vadd.s32 v3, v59;
	s24 =	simm.s32 $0x680  }
0x5a: {  	[tilespmem:s24], [sflag:$0x3] =	stream.indirect_vreg.gather [hbm4b:s9+s3], $0x80, v18, vm0, $0xb8;
	[tilespmem:$0x1EA00] =	vst v63  }
0x5b: {  	v62 =	vperm.xlane v17, v14;
	s23 =	simm.s32 $0x700;
	v18 =	vadd.s32 v3, v61  }
0x5c: {  	[tilespmem:s23], [sflag:$0x3] =	stream.indirect_vreg.gather [hbm4b:s9+s3], $0x80, v19, vm0, $0xb8;
	[tilespmem:$0x1EA00] =	vst v63  }
0x5d: {  	v63 =	vperm.xlane v17, v15;
	s24 =	simm.s32 $0x780;
	v19 =	vadd.s32 v3, v62  }
0x5e: {  	[tilespmem:s24], [sflag:$0x3] =	stream.indirect_vreg.gather [hbm4b:s9+s3], $0x80, v60, vm0, $0xb8;
	[tilespmem:$0x1EA00] =	vst v63  }
0x5f: {  	v17 =	vperm.xlane v17, v16;
	v24 =	vadd.s32 v3, v63;
	s23 =	simm.s32 $0x800  }
0x60: {  	[tilespmem:s23], [sflag:$0x3] =	stream.indirect_vreg.gather [hbm4b:s9+s3], $0x80, v18, vm0, $0xb8;
	[tilespmem:$0x1EA00] =	vst v63  }
0x61: {  	v17 =	vadd.s32 v3, v17;
	s24 =	simm.s32 $0x880  }
0x62: {  	[tilespmem:s24], [sflag:$0x3] =	stream.indirect_vreg.gather [hbm4b:s9+s3], $0x80, v19, vm0, $0xb8;
	[tilespmem:$0x1EA00] =	vst v63  }
0x63: {  	s23 =	simm.s32 $0x900  }
0x64: {  	[tilespmem:s23], [sflag:$0x3] =	stream.indirect_vreg.gather [hbm4b:s9+s3], $0x80, v24, vm0, $0xb8;
	[tilespmem:$0x1EA00] =	vst v63  }
0x65: {  	s24 =	simm.s32 $0x980  }
0x66: {  	[tilespmem:s24], [sflag:$0x3] =	stream.indirect_vreg.gather [hbm4b:s9+s3], $0x80, v17, vm0, $0xb8;
	[tilespmem:$0x1EA00] =	vst v63  }
0x67: {  	v17 =	vld [tilespmem:$0x10];
	_ =	sdelay $0x4  }
0x68: {  	v18 =	vshll.u32 v17, $0x1  }
0x69: {  	v17 =	vand.u32 $0x7, v17;
	v18 =	vand.u32 $0xFFFFFFF0, v18  }
0x6a: {  	v17 =	vor.u32 v17, v18  }
0x6b: {  	v18 =	vperm.xlane v17, v2;
	_ =	sdelay $0x1  }
0x6c: {  	v19 =	vperm.xlane v17, v1;
	v18 =	vadd.s32 v3, v18;
	_ =	sdelay $0x1  }
0x6d: {  	v25 =	vperm.xlane v17, v4;
	v19 =	vadd.s32 v3, v19;
	_ =	sdelay $0x1  }
0x6e: {  	s23 =	simm.s32 $0xA00;
	v26 =	vperm.xlane v17, v5;
	v20 =	vadd.s32 v3, v25  }
0x6f: {  	[tilespmem:s23], [sflag:$0x3] =	stream.indirect_vreg.gather [hbm4b:s9+s3], $0x80, v18, vm0, $0xb8;
	[tilespmem:$0x1EA00] =	vst v63  }
0x70: {  	s24 =	simm.s32 $0xA80;
	v27 =	vperm.xlane v17, v6;
	v18 =	vadd.s32 v3, v26  }
0x71: {  	[tilespmem:s24], [sflag:$0x3] =	stream.indirect_vreg.gather [hbm4b:s9+s3], $0x80, v19, vm0, $0xb8;
	[tilespmem:$0x1EA00] =	vst v63  }
0x72: {  	v28 =	vperm.xlane v17, v7;
	s23 =	simm.s32 $0xB00;
	v19 =	vadd.s32 v3, v27  }
0x73: {  	[tilespmem:s23], [sflag:$0x3] =	stream.indirect_vreg.gather [hbm4b:s9+s3], $0x80, v20, vm0, $0xb8;
	[tilespmem:$0x1EA00] =	vst v63  }
0x74: {  	v30 =	vperm.xlane v17, v8;
	v29 =	vadd.s32 v3, v28;
	s24 =	simm.s32 $0xB80  }
0x75: {  	[tilespmem:s24], [sflag:$0x3] =	stream.indirect_vreg.gather [hbm4b:s9+s3], $0x80, v18, vm0, $0xb8;
	[tilespmem:$0x1EA00] =	vst v63  }
0x76: {  	v31 =	vperm.xlane v17, v0;
	s23 =	simm.s32 $0xC00;
	v18 =	vadd.s32 v3, v30  }
0x77: {  	[tilespmem:s23], [sflag:$0x3] =	stream.indirect_vreg.gather [hbm4b:s9+s3], $0x80, v19, vm0, $0xb8;
	[tilespmem:$0x1EA00] =	vst v63  }
0x78: {  	v32 =	vperm.xlane v17, v9;
	s24 =	simm.s32 $0xC80;
	v19 =	vadd.s32 v3, v31  }
0x79: {  	[tilespmem:s24], [sflag:$0x3] =	stream.indirect_vreg.gather [hbm4b:s9+s3], $0x80, v29, vm0, $0xb8;
	[tilespmem:$0x1EA00] =	vst v63  }
0x7a: {  	v34 =	vperm.xlane v17, v10;
	v33 =	vadd.s32 v3, v32;
	s23 =	simm.s32 $0xD00  }
0x7b: {  	[tilespmem:s23], [sflag:$0x3] =	stream.indirect_vreg.gather [hbm4b:s9+s3], $0x80, v18, vm0, $0xb8;
	[tilespmem:$0x1EA00] =	vst v63  }
0x7c: {  	v35 =	vperm.xlane v17, v11;
	s24 =	simm.s32 $0xD80;
	v18 =	vadd.s32 v3, v34  }
0x7d: {  	[tilespmem:s24], [sflag:$0x3] =	stream.indirect_vreg.gather [hbm4b:s9+s3], $0x80, v19, vm0, $0xb8;
	[tilespmem:$0x1EA00] =	vst v63  }
0x7e: {  	v36 =	vperm.xlane v17, v12;
	s23 =	simm.s32 $0xE00;
	v19 =	vadd.s32 v3, v35  }
0x7f: {  	[tilespmem:s23], [sflag:$0x3] =	stream.indirect_vreg.gather [hbm4b:s9+s3], $0x80, v33, vm0, $0xb8;
	[tilespmem:$0x1EA00] =	vst v63  }
0x80: {  	v38 =	vperm.xlane v17, v13;
	v37 =	vadd.s32 v3, v36;
	s24 =	simm.s32 $0xE80  }
0x81: {  	[tilespmem:s24], [sflag:$0x3] =	stream.indirect_vreg.gather [hbm4b:s9+s3], $0x80, v18, vm0, $0xb8;
	[tilespmem:$0x1EA00] =	vst v63  }
0x82: {  	v39 =	vperm.xlane v17, v14;
	s23 =	simm.s32 $0xF00;
	v18 =	vadd.s32 v3, v38  }
0x83: {  	[tilespmem:s23], [sflag:$0x3] =	stream.indirect_vreg.gather [hbm4b:s9+s3], $0x80, v19, vm0, $0xb8;
	[tilespmem:$0x1EA00] =	vst v63  }
0x84: {  	v40 =	vperm.xlane v17, v15;
	s24 =	simm.s32 $0xF80;
	v19 =	vadd.s32 v3, v39  }
0x85: {  	[tilespmem:s24], [sflag:$0x3] =	stream.indirect_vreg.gather [hbm4b:s9+s3], $0x80, v37, vm0, $0xb8;
	[tilespmem:$0x1EA00] =	vst v63  }
0x86: {  	v17 =	vperm.xlane v17, v16;
	v41 =	vadd.s32 v3, v40;
	s23 =	simm.s32 $0x1000  }
0x87: {  	[tilespmem:s23], [sflag:$0x3] =	stream.indirect_vreg.gather [hbm4b:s9+s3], $0x80, v18, vm0, $0xb8;
	[tilespmem:$0x1EA00] =	vst v63  }
0x88: {  	v17 =	vadd.s32 v3, v17;
	s24 =	simm.s32 $0x1080  }
0x89: {  	[tilespmem:s24], [sflag:$0x3] =	stream.indirect_vreg.gather [hbm4b:s9+s3], $0x80, v19, vm0, $0xb8;
	[tilespmem:$0x1EA00] =	vst v63  }
0x8a: {  	s23 =	simm.s32 $0x1100  }
0x8b: {  	[tilespmem:s23], [sflag:$0x3] =	stream.indirect_vreg.gather [hbm4b:s9+s3], $0x80, v41, vm0, $0xb8;
	[tilespmem:$0x1EA00] =	vst v63  }
0x8c: {  	s24 =	simm.s32 $0x1180  }
0x8d: {  	[tilespmem:s24], [sflag:$0x3] =	stream.indirect_vreg.gather [hbm4b:s9+s3], $0x80, v17, vm0, $0xb8;
	[tilespmem:$0x1EA00] =	vst v63  }
0x8e: {  	v17 =	vld [tilespmem:$0x20];
	_ =	sdelay $0x4  }
0x8f: {  	v18 =	vshll.u32 v17, $0x1  }
0x90: {  	v17 =	vand.u32 $0x7, v17;
	v18 =	vand.u32 $0xFFFFFFF0, v18  }
0x91: {  	v17 =	vor.u32 v17, v18  }
0x92: {  	v18 =	vperm.xlane v17, v2;
	_ =	sdelay $0x1  }
0x93: {  	v19 =	vperm.xlane v17, v1;
	v18 =	vadd.s32 v3, v18;
	_ =	sdelay $0x1  }
0x94: {  	v42 =	vperm.xlane v17, v4;
	v19 =	vadd.s32 v3, v19;
	_ =	sdelay $0x1  }
0x95: {  	s23 =	simm.s32 $0x1200;
	v43 =	vperm.xlane v17, v5;
	v20 =	vadd.s32 v3, v42  }
0x96: {  	[tilespmem:s23], [sflag:$0x3] =	stream.indirect_vreg.gather [hbm4b:s9+s3], $0x80, v18, vm0, $0xb8;
	[tilespmem:$0x1EA00] =	vst v63  }
0x97: {  	s24 =	simm.s32 $0x1280;
	v44 =	vperm.xlane v17, v6;
	v18 =	vadd.s32 v3, v43  }
0x98: {  	[tilespmem:s24], [sflag:$0x3] =	stream.indirect_vreg.gather [hbm4b:s9+s3], $0x80, v19, vm0, $0xb8;
	[tilespmem:$0x1EA00] =	vst v63  }
0x99: {  	v45 =	vperm.xlane v17, v7;
	s23 =	simm.s32 $0x1300;
	v19 =	vadd.s32 v3, v44  }
0x9a: {  	[tilespmem:s23], [sflag:$0x3] =	stream.indirect_vreg.gather [hbm4b:s9+s3], $0x80, v20, vm0, $0xb8;
	[tilespmem:$0x1EA00] =	vst v63  }
0x9b: {  	v47 =	vperm.xlane v17, v8;
	v46 =	vadd.s32 v3, v45;
	s24 =	simm.s32 $0x1380  }
0x9c: {  	[tilespmem:s24], [sflag:$0x3] =	stream.indirect_vreg.gather [hbm4b:s9+s3], $0x80, v18, vm0, $0xb8;
	[tilespmem:$0x1EA00] =	vst v63  }
0x9d: {  	v48 =	vperm.xlane v17, v0;
	s23 =	simm.s32 $0x1400;
	v18 =	vadd.s32 v3, v47  }
0x9e: {  	[tilespmem:s23], [sflag:$0x3] =	stream.indirect_vreg.gather [hbm4b:s9+s3], $0x80, v19, vm0, $0xb8;
	[tilespmem:$0x1EA00] =	vst v63  }
0x9f: {  	v49 =	vperm.xlane v17, v9;
	s24 =	simm.s32 $0x1480;
	v19 =	vadd.s32 v3, v48  }
0xa0: {  	[tilespmem:s24], [sflag:$0x3] =	stream.indirect_vreg.gather [hbm4b:s9+s3], $0x80, v46, vm0, $0xb8;
	[tilespmem:$0x1EA00] =	vst v63  }
0xa1: {  	v51 =	vperm.xlane v17, v10;
	v50 =	vadd.s32 v3, v49;
	s23 =	simm.s32 $0x1500  }
0xa2: {  	[tilespmem:s23], [sflag:$0x3] =	stream.indirect_vreg.gather [hbm4b:s9+s3], $0x80, v18, vm0, $0xb8;
	[tilespmem:$0x1EA00] =	vst v63  }
0xa3: {  	v52 =	vperm.xlane v17, v11;
	s24 =	simm.s32 $0x1580;
	v18 =	vadd.s32 v3, v51  }
0xa4: {  	[tilespmem:s24], [sflag:$0x3] =	stream.indirect_vreg.gather [hbm4b:s9+s3], $0x80, v19, vm0, $0xb8;
	[tilespmem:$0x1EA00] =	vst v63  }
0xa5: {  	v53 =	vperm.xlane v17, v12;
	s23 =	simm.s32 $0x1600;
	v19 =	vadd.s32 v3, v52  }
0xa6: {  	[tilespmem:s23], [sflag:$0x3] =	stream.indirect_vreg.gather [hbm4b:s9+s3], $0x80, v50, vm0, $0xb8;
	[tilespmem:$0x1EA00] =	vst v63  }
0xa7: {  	v55 =	vperm.xlane v17, v13;
	v54 =	vadd.s32 v3, v53;
	s24 =	simm.s32 $0x1680  }
0xa8: {  	[tilespmem:s24], [sflag:$0x3] =	stream.indirect_vreg.gather [hbm4b:s9+s3], $0x80, v18, vm0, $0xb8;
	[tilespmem:$0x1EA00] =	vst v63  }
0xa9: {  	v56 =	vperm.xlane v17, v14;
	s23 =	simm.s32 $0x1700;
	v18 =	vadd.s32 v3, v55  }
0xaa: {  	[tilespmem:s23], [sflag:$0x3] =	stream.indirect_vreg.gather [hbm4b:s9+s3], $0x80, v19, vm0, $0xb8;
	[tilespmem:$0x1EA00] =	vst v63  }
0xab: {  	v57 =	vperm.xlane v17, v15;
	s24 =	simm.s32 $0x1780;
	v19 =	vadd.s32 v3, v56  }
0xac: {  	[tilespmem:s24], [sflag:$0x3] =	stream.indirect_vreg.gather [hbm4b:s9+s3], $0x80, v54, vm0, $0xb8;
	[tilespmem:$0x1EA00] =	vst v63  }
0xad: {  	v17 =	vperm.xlane v17, v16;
	v58 =	vadd.s32 v3, v57;
	s23 =	simm.s32 $0x1800  }
0xae: {  	[tilespmem:s23], [sflag:$0x3] =	stream.indirect_vreg.gather [hbm4b:s9+s3], $0x80, v18, vm0, $0xb8;
	[tilespmem:$0x1EA00] =	vst v63  }
0xaf: {  	v17 =	vadd.s32 v3, v17;
	s24 =	simm.s32 $0x1880  }
0xb0: {  	[tilespmem:s24], [sflag:$0x3] =	stream.indirect_vreg.gather [hbm4b:s9+s3], $0x80, v19, vm0, $0xb8;
	[tilespmem:$0x1EA00] =	vst v63  }
0xb1: {  	s23 =	simm.s32 $0x1900  }
0xb2: {  	[tilespmem:s23], [sflag:$0x3] =	stream.indirect_vreg.gather [hbm4b:s9+s3], $0x80, v58, vm0, $0xb8;
	[tilespmem:$0x1EA00] =	vst v63  }
0xb3: {  	s24 =	simm.s32 $0x1980  }
0xb4: {  	[tilespmem:s24], [sflag:$0x3] =	stream.indirect_vreg.gather [hbm4b:s9+s3], $0x80, v17, vm0, $0xb8;
	[tilespmem:$0x1EA00] =	vst v63  }
0xb5: {  	v17 =	vld [tilespmem:$0x30];
	_ =	sdelay $0x4  }
0xb6: {  	v18 =	vshll.u32 v17, $0x1  }
0xb7: {  	v17 =	vand.u32 $0x7, v17;
	v18 =	vand.u32 $0xFFFFFFF0, v18  }
0xb8: {  	v17 =	vor.u32 v17, v18  }
0xb9: {  	v18 =	vperm.xlane v17, v2;
	_ =	sdelay $0x1  }
0xba: {  	v19 =	vperm.xlane v17, v1;
	v18 =	vadd.s32 v3, v18;
	_ =	sdelay $0x1  }
0xbb: {  	v59 =	vperm.xlane v17, v4;
	v19 =	vadd.s32 v3, v19;
	_ =	sdelay $0x1  }
0xbc: {  	s23 =	simm.s32 $0x1A00;
	v60 =	vperm.xlane v17, v5;
	v20 =	vadd.s32 v3, v59  }
0xbd: {  	[tilespmem:s23], [sflag:$0x3] =	stream.indirect_vreg.gather [hbm4b:s9+s3], $0x80, v18, vm0, $0xb8;
	[tilespmem:$0x1EA00] =	vst v63  }
0xbe: {  	s24 =	simm.s32 $0x1A80;
	v61 =	vperm.xlane v17, v6;
	v18 =	vadd.s32 v3, v60  }
0xbf: {  	[tilespmem:s24], [sflag:$0x3] =	stream.indirect_vreg.gather [hbm4b:s9+s3], $0x80, v19, vm0, $0xb8;
	[tilespmem:$0x1EA00] =	vst v63  }
0xc0: {  	v62 =	vperm.xlane v17, v7;
	s23 =	simm.s32 $0x1B00;
	v19 =	vadd.s32 v3, v61  }
0xc1: {  	[tilespmem:s23], [sflag:$0x3] =	stream.indirect_vreg.gather [hbm4b:s9+s3], $0x80, v20, vm0, $0xb8;
	[tilespmem:$0x1EA00] =	vst v63  }
0xc2: {  	v24 =	vperm.xlane v17, v8;
	v63 =	vadd.s32 v3, v62;
	s24 =	simm.s32 $0x1B80  }
0xc3: {  	[tilespmem:s24], [sflag:$0x3] =	stream.indirect_vreg.gather [hbm4b:s9+s3], $0x80, v18, vm0, $0xb8;
	[tilespmem:$0x1EA00] =	vst v63  }
0xc4: {  	v25 =	vperm.xlane v17, v0;
	s23 =	simm.s32 $0x1C00;
	v18 =	vadd.s32 v3, v24  }
0xc5: {  	[tilespmem:s23], [sflag:$0x3] =	stream.indirect_vreg.gather [hbm4b:s9+s3], $0x80, v19, vm0, $0xb8;
	[tilespmem:$0x1EA00] =	vst v63  }
0xc6: {  	v26 =	vperm.xlane v17, v9;
	s24 =	simm.s32 $0x1C80;
	v19 =	vadd.s32 v3, v25  }
0xc7: {  	[tilespmem:s24], [sflag:$0x3] =	stream.indirect_vreg.gather [hbm4b:s9+s3], $0x80, v63, vm0, $0xb8;
	[tilespmem:$0x1EA00] =	vst v63  }
0xc8: {  	v28 =	vperm.xlane v17, v10;
	v27 =	vadd.s32 v3, v26;
	s23 =	simm.s32 $0x1D00  }
0xc9: {  	[tilespmem:s23], [sflag:$0x3] =	stream.indirect_vreg.gather [hbm4b:s9+s3], $0x80, v18, vm0, $0xb8;
	[tilespmem:$0x1EA00] =	vst v63  }
0xca: {  	v29 =	vperm.xlane v17, v11;
	s24 =	simm.s32 $0x1D80;
	v18 =	vadd.s32 v3, v28  }
0xcb: {  	[tilespmem:s24], [sflag:$0x3] =	stream.indirect_vreg.gather [hbm4b:s9+s3], $0x80, v19, vm0, $0xb8;
	[tilespmem:$0x1EA00] =	vst v63  }
0xcc: {  	v30 =	vperm.xlane v17, v12;
	s23 =	simm.s32 $0x1E00;
	v19 =	vadd.s32 v3, v29  }
0xcd: {  	[tilespmem:s23], [sflag:$0x3] =	stream.indirect_vreg.gather [hbm4b:s9+s3], $0x80, v27, vm0, $0xb8;
	[tilespmem:$0x1EA00] =	vst v63  }
0xce: {  	v32 =	vperm.xlane v17, v13;
	v31 =	vadd.s32 v3, v30;
	s24 =	simm.s32 $0x1E80  }
0xcf: {  	[tilespmem:s24], [sflag:$0x3] =	stream.indirect_vreg.gather [hbm4b:s9+s3], $0x80, v18, vm0, $0xb8;
	[tilespmem:$0x1EA00] =	vst v63  }
0xd0: {  	v33 =	vperm.xlane v17, v14;
	s23 =	simm.s32 $0x1F00;
	v18 =	vadd.s32 v3, v32  }
0xd1: {  	[tilespmem:s23], [sflag:$0x3] =	stream.indirect_vreg.gather [hbm4b:s9+s3], $0x80, v19, vm0, $0xb8;
	[tilespmem:$0x1EA00] =	vst v63  }
0xd2: {  	v34 =	vperm.xlane v17, v15;
	s24 =	simm.s32 $0x1F80;
	v19 =	vadd.s32 v3, v33  }
0xd3: {  	[tilespmem:s24], [sflag:$0x3] =	stream.indirect_vreg.gather [hbm4b:s9+s3], $0x80, v31, vm0, $0xb8;
	[tilespmem:$0x1EA00] =	vst v63  }
0xd4: {  	v17 =	vperm.xlane v17, v16;
	v35 =	vadd.s32 v3, v34;
	s23 =	simm.s32 $0x2000  }
0xd5: {  	[tilespmem:s23], [sflag:$0x3] =	stream.indirect_vreg.gather [hbm4b:s9+s3], $0x80, v18, vm0, $0xb8;
	[tilespmem:$0x1EA00] =	vst v63  }
0xd6: {  	v17 =	vadd.s32 v3, v17;
	s24 =	simm.s32 $0x2080  }
0xd7: {  	[tilespmem:s24], [sflag:$0x3] =	stream.indirect_vreg.gather [hbm4b:s9+s3], $0x80, v19, vm0, $0xb8;
	[tilespmem:$0x1EA00] =	vst v63  }
0xd8: {  	s23 =	simm.s32 $0x2100  }
0xd9: {  	[tilespmem:s23], [sflag:$0x3] =	stream.indirect_vreg.gather [hbm4b:s9+s3], $0x80, v35, vm0, $0xb8;
	[tilespmem:$0x1EA00] =	vst v63  }
0xda: {  	s24 =	simm.s32 $0x2180  }
0xdb: {  	[tilespmem:s24], [sflag:$0x3] =	stream.indirect_vreg.gather [hbm4b:s9+s3], $0x80, v17, vm0, $0xb8;
	[tilespmem:$0x1EA00] =	vst v63  }
0xdc: {  	v17 =	vld [tilespmem:$0x40];
	_ =	sdelay $0x4  }
0xdd: {  	v18 =	vshll.u32 v17, $0x1  }
0xde: {  	v17 =	vand.u32 $0x7, v17;
	v18 =	vand.u32 $0xFFFFFFF0, v18  }
0xdf: {  	v17 =	vor.u32 v17, v18  }
0xe0: {  	v18 =	vperm.xlane v17, v2;
	_ =	sdelay $0x1  }
0xe1: {  	v19 =	vperm.xlane v17, v1;
	v18 =	vadd.s32 v3, v18;
	_ =	sdelay $0x1  }
0xe2: {  	v36 =	vperm.xlane v17, v4;
	v19 =	vadd.s32 v3, v19;
	_ =	sdelay $0x1  }
0xe3: {  	s23 =	simm.s32 $0x2200;
	v37 =	vperm.xlane v17, v5;
	v20 =	vadd.s32 v3, v36  }
0xe4: {  	[tilespmem:s23], [sflag:$0x3] =	stream.indirect_vreg.gather [hbm4b:s9+s3], $0x80, v18, vm0, $0xb8;
	[tilespmem:$0x1EA00] =	vst v63  }
0xe5: {  	s24 =	simm.s32 $0x2280;
	v38 =	vperm.xlane v17, v6;
	v18 =	vadd.s32 v3, v37  }
0xe6: {  	[tilespmem:s24], [sflag:$0x3] =	stream.indirect_vreg.gather [hbm4b:s9+s3], $0x80, v19, vm0, $0xb8;
	[tilespmem:$0x1EA00] =	vst v63  }
0xe7: {  	v39 =	vperm.xlane v17, v7;
	s23 =	simm.s32 $0x2300;
	v19 =	vadd.s32 v3, v38  }
0xe8: {  	[tilespmem:s23], [sflag:$0x3] =	stream.indirect_vreg.gather [hbm4b:s9+s3], $0x80, v20, vm0, $0xb8;
	[tilespmem:$0x1EA00] =	vst v63  }
0xe9: {  	v41 =	vperm.xlane v17, v8;
	v40 =	vadd.s32 v3, v39;
	s24 =	simm.s32 $0x2380  }
0xea: {  	[tilespmem:s24], [sflag:$0x3] =	stream.indirect_vreg.gather [hbm4b:s9+s3], $0x80, v18, vm0, $0xb8;
	[tilespmem:$0x1EA00] =	vst v63  }
0xeb: {  	v42 =	vperm.xlane v17, v0;
	s23 =	simm.s32 $0x2400;
	v18 =	vadd.s32 v3, v41  }
0xec: {  	[tilespmem:s23], [sflag:$0x3] =	stream.indirect_vreg.gather [hbm4b:s9+s3], $0x80, v19, vm0, $0xb8;
	[tilespmem:$0x1EA00] =	vst v63  }
0xed: {  	v43 =	vperm.xlane v17, v9;
	s24 =	simm.s32 $0x2480;
	v19 =	vadd.s32 v3, v42  }
0xee: {  	[tilespmem:s24], [sflag:$0x3] =	stream.indirect_vreg.gather [hbm4b:s9+s3], $0x80, v40, vm0, $0xb8;
	[tilespmem:$0x1EA00] =	vst v63  }
0xef: {  	v45 =	vperm.xlane v17, v10;
	v44 =	vadd.s32 v3, v43;
	s23 =	simm.s32 $0x2500  }
0xf0: {  	[tilespmem:s23], [sflag:$0x3] =	stream.indirect_vreg.gather [hbm4b:s9+s3], $0x80, v18, vm0, $0xb8;
	[tilespmem:$0x1EA00] =	vst v63  }
0xf1: {  	v46 =	vperm.xlane v17, v11;
	s24 =	simm.s32 $0x2580;
	v18 =	vadd.s32 v3, v45  }
0xf2: {  	[tilespmem:s24], [sflag:$0x3] =	stream.indirect_vreg.gather [hbm4b:s9+s3], $0x80, v19, vm0, $0xb8;
	[tilespmem:$0x1EA00] =	vst v63  }
0xf3: {  	v47 =	vperm.xlane v17, v12;
	s23 =	simm.s32 $0x2600;
	v19 =	vadd.s32 v3, v46  }
0xf4: {  	[tilespmem:s23], [sflag:$0x3] =	stream.indirect_vreg.gather [hbm4b:s9+s3], $0x80, v44, vm0, $0xb8;
	[tilespmem:$0x1EA00] =	vst v63  }
0xf5: {  	v49 =	vperm.xlane v17, v13;
	v48 =	vadd.s32 v3, v47;
	s24 =	simm.s32 $0x2680  }
0xf6: {  	[tilespmem:s24], [sflag:$0x3] =	stream.indirect_vreg.gather [hbm4b:s9+s3], $0x80, v18, vm0, $0xb8;
	[tilespmem:$0x1EA00] =	vst v63  }
0xf7: {  	v50 =	vperm.xlane v17, v14;
	s23 =	simm.s32 $0x2700;
	v18 =	vadd.s32 v3, v49  }
0xf8: {  	[tilespmem:s23], [sflag:$0x3] =	stream.indirect_vreg.gather [hbm4b:s9+s3], $0x80, v19, vm0, $0xb8;
	[tilespmem:$0x1EA00] =	vst v63  }
0xf9: {  	v51 =	vperm.xlane v17, v15;
	s24 =	simm.s32 $0x2780;
	v19 =	vadd.s32 v3, v50  }
0xfa: {  	[tilespmem:s24], [sflag:$0x3] =	stream.indirect_vreg.gather [hbm4b:s9+s3], $0x80, v48, vm0, $0xb8;
	[tilespmem:$0x1EA00] =	vst v63  }
0xfb: {  	v17 =	vperm.xlane v17, v16;
	v52 =	vadd.s32 v3, v51;
	s23 =	simm.s32 $0x2800  }
0xfc: {  	[tilespmem:s23], [sflag:$0x3] =	stream.indirect_vreg.gather [hbm4b:s9+s3], $0x80, v18, vm0, $0xb8;
	[tilespmem:$0x1EA00] =	vst v63  }
0xfd: {  	v17 =	vadd.s32 v3, v17;
	s24 =	simm.s32 $0x2880  }
0xfe: {  	[tilespmem:s24], [sflag:$0x3] =	stream.indirect_vreg.gather [hbm4b:s9+s3], $0x80, v19, vm0, $0xb8;
	[tilespmem:$0x1EA00] =	vst v63  }
0xff: {  	s23 =	simm.s32 $0x2900  }
0x100: {  	[tilespmem:s23], [sflag:$0x3] =	stream.indirect_vreg.gather [hbm4b:s9+s3], $0x80, v52, vm0, $0xb8;
	[tilespmem:$0x1EA00] =	vst v63  }
0x101: {  	s24 =	simm.s32 $0x2980  }
0x102: {  	[tilespmem:s24], [sflag:$0x3] =	stream.indirect_vreg.gather [hbm4b:s9+s3], $0x80, v17, vm0, $0xb8;
	[tilespmem:$0x1EA00] =	vst v63  }
0x103: {  	v17 =	vld [tilespmem:$0x50];
	_ =	sdelay $0x4  }
0x104: {  	v18 =	vshll.u32 v17, $0x1  }
0x105: {  	v17 =	vand.u32 $0x7, v17;
	v18 =	vand.u32 $0xFFFFFFF0, v18  }
0x106: {  	v17 =	vor.u32 v17, v18  }
0x107: {  	v18 =	vperm.xlane v17, v2;
	_ =	sdelay $0x1  }
0x108: {  	v19 =	vperm.xlane v17, v1;
	v18 =	vadd.s32 v3, v18;
	_ =	sdelay $0x1  }
0x109: {  	v53 =	vperm.xlane v17, v4;
	v19 =	vadd.s32 v3, v19;
	_ =	sdelay $0x1  }
0x10a: {  	s23 =	simm.s32 $0x2A00;
	v54 =	vperm.xlane v17, v5;
	v20 =	vadd.s32 v3, v53  }
0x10b: {  	[tilespmem:s23], [sflag:$0x3] =	stream.indirect_vreg.gather [hbm4b:s9+s3], $0x80, v18, vm0, $0xb8;
	[tilespmem:$0x1EA00] =	vst v63  }
0x10c: {  	s24 =	simm.s32 $0x2A80;
	v55 =	vperm.xlane v17, v6;
	v18 =	vadd.s32 v3, v54  }
0x10d: {  	[tilespmem:s24], [sflag:$0x3] =	stream.indirect_vreg.gather [hbm4b:s9+s3], $0x80, v19, vm0, $0xb8;
	[tilespmem:$0x1EA00] =	vst v63  }
0x10e: {  	v56 =	vperm.xlane v17, v7;
	s23 =	simm.s32 $0x2B00;
	v19 =	vadd.s32 v3, v55  }
0x10f: {  	[tilespmem:s23], [sflag:$0x3] =	stream.indirect_vreg.gather [hbm4b:s9+s3], $0x80, v20, vm0, $0xb8;
	[tilespmem:$0x1EA00] =	vst v63  }
0x110: {  	v58 =	vperm.xlane v17, v8;
	v57 =	vadd.s32 v3, v56;
	s24 =	simm.s32 $0x2B80  }
0x111: {  	[tilespmem:s24], [sflag:$0x3] =	stream.indirect_vreg.gather [hbm4b:s9+s3], $0x80, v18, vm0, $0xb8;
	[tilespmem:$0x1EA00] =	vst v63  }
0x112: {  	v59 =	vperm.xlane v17, v0;
	s23 =	simm.s32 $0x2C00;
	v18 =	vadd.s32 v3, v58  }
0x113: {  	[tilespmem:s23], [sflag:$0x3] =	stream.indirect_vreg.gather [hbm4b:s9+s3], $0x80, v19, vm0, $0xb8;
	[tilespmem:$0x1EA00] =	vst v63  }
0x114: {  	v60 =	vperm.xlane v17, v9;
	s24 =	simm.s32 $0x2C80;
	v19 =	vadd.s32 v3, v59  }
0x115: {  	[tilespmem:s24], [sflag:$0x3] =	stream.indirect_vreg.gather [hbm4b:s9+s3], $0x80, v57, vm0, $0xb8;
	[tilespmem:$0x1EA00] =	vst v63  }
0x116: {  	v62 =	vperm.xlane v17, v10;
	v61 =	vadd.s32 v3, v60;
	s23 =	simm.s32 $0x2D00  }
0x117: {  	[tilespmem:s23], [sflag:$0x3] =	stream.indirect_vreg.gather [hbm4b:s9+s3], $0x80, v18, vm0, $0xb8;
	[tilespmem:$0x1EA00] =	vst v63  }
0x118: {  	v63 =	vperm.xlane v17, v11;
	s24 =	simm.s32 $0x2D80;
	v18 =	vadd.s32 v3, v62  }
0x119: {  	[tilespmem:s24], [sflag:$0x3] =	stream.indirect_vreg.gather [hbm4b:s9+s3], $0x80, v19, vm0, $0xb8;
	[tilespmem:$0x1EA00] =	vst v63  }
0x11a: {  	v24 =	vperm.xlane v17, v12;
	s23 =	simm.s32 $0x2E00;
	v19 =	vadd.s32 v3, v63  }
0x11b: {  	[tilespmem:s23], [sflag:$0x3] =	stream.indirect_vreg.gather [hbm4b:s9+s3], $0x80, v61, vm0, $0xb8;
	[tilespmem:$0x1EA00] =	vst v63  }
0x11c: {  	v26 =	vperm.xlane v17, v13;
	v25 =	vadd.s32 v3, v24;
	s24 =	simm.s32 $0x2E80  }
0x11d: {  	[tilespmem:s24], [sflag:$0x3] =	stream.indirect_vreg.gather [hbm4b:s9+s3], $0x80, v18, vm0, $0xb8;
	[tilespmem:$0x1EA00] =	vst v63  }
0x11e: {  	v27 =	vperm.xlane v17, v14;
	s23 =	simm.s32 $0x2F00;
	v18 =	vadd.s32 v3, v26  }
0x11f: {  	[tilespmem:s23], [sflag:$0x3] =	stream.indirect_vreg.gather [hbm4b:s9+s3], $0x80, v19, vm0, $0xb8;
	[tilespmem:$0x1EA00] =	vst v63  }
0x120: {  	v28 =	vperm.xlane v17, v15;
	s24 =	simm.s32 $0x2F80;
	v19 =	vadd.s32 v3, v27  }
0x121: {  	[tilespmem:s24], [sflag:$0x3] =	stream.indirect_vreg.gather [hbm4b:s9+s3], $0x80, v25, vm0, $0xb8;
	[tilespmem:$0x1EA00] =	vst v63  }
0x122: {  	v17 =	vperm.xlane v17, v16;
	v29 =	vadd.s32 v3, v28;
	s23 =	simm.s32 $0x3000  }
0x123: {  	[tilespmem:s23], [sflag:$0x3] =	stream.indirect_vreg.gather [hbm4b:s9+s3], $0x80, v18, vm0, $0xb8;
	[tilespmem:$0x1EA00] =	vst v63  }
0x124: {  	v17 =	vadd.s32 v3, v17;
	s24 =	simm.s32 $0x3080  }
0x125: {  	[tilespmem:s24], [sflag:$0x3] =	stream.indirect_vreg.gather [hbm4b:s9+s3], $0x80, v19, vm0, $0xb8;
	[tilespmem:$0x1EA00] =	vst v63  }
0x126: {  	s23 =	simm.s32 $0x3100  }
0x127: {  	[tilespmem:s23], [sflag:$0x3] =	stream.indirect_vreg.gather [hbm4b:s9+s3], $0x80, v29, vm0, $0xb8;
	[tilespmem:$0x1EA00] =	vst v63  }
0x128: {  	s24 =	simm.s32 $0x3180  }
0x129: {  	[tilespmem:s24], [sflag:$0x3] =	stream.indirect_vreg.gather [hbm4b:s9+s3], $0x80, v17, vm0, $0xb8;
	[tilespmem:$0x1EA00] =	vst v63  }
0x12a: {  	v17 =	vld [tilespmem:$0x60];
	_ =	sdelay $0x4  }
0x12b: {  	v18 =	vshll.u32 v17, $0x1  }
0x12c: {  	v17 =	vand.u32 $0x7, v17;
	v18 =	vand.u32 $0xFFFFFFF0, v18  }
0x12d: {  	v17 =	vor.u32 v17, v18  }
0x12e: {  	v18 =	vperm.xlane v17, v2;
	_ =	sdelay $0x1  }
0x12f: {  	v19 =	vperm.xlane v17, v1;
	v18 =	vadd.s32 v3, v18;
	_ =	sdelay $0x1  }
0x130: {  	v30 =	vperm.xlane v17, v4;
	v19 =	vadd.s32 v3, v19;
	_ =	sdelay $0x1  }
0x131: {  	s23 =	simm.s32 $0x3200;
	v31 =	vperm.xlane v17, v5;
	v20 =	vadd.s32 v3, v30  }
0x132: {  	[tilespmem:s23], [sflag:$0x3] =	stream.indirect_vreg.gather [hbm4b:s9+s3], $0x80, v18, vm0, $0xb8;
	[tilespmem:$0x1EA00] =	vst v63  }
0x133: {  	s24 =	simm.s32 $0x3280;
	v32 =	vperm.xlane v17, v6;
	v18 =	vadd.s32 v3, v31  }
0x134: {  	[tilespmem:s24], [sflag:$0x3] =	stream.indirect_vreg.gather [hbm4b:s9+s3], $0x80, v19, vm0, $0xb8;
	[tilespmem:$0x1EA00] =	vst v63  }
0x135: {  	v33 =	vperm.xlane v17, v7;
	s23 =	simm.s32 $0x3300;
	v19 =	vadd.s32 v3, v32  }
0x136: {  	[tilespmem:s23], [sflag:$0x3] =	stream.indirect_vreg.gather [hbm4b:s9+s3], $0x80, v20, vm0, $0xb8;
	[tilespmem:$0x1EA00] =	vst v63  }
0x137: {  	v35 =	vperm.xlane v17, v8;
	v34 =	vadd.s32 v3, v33;
	s24 =	simm.s32 $0x3380  }
0x138: {  	[tilespmem:s24], [sflag:$0x3] =	stream.indirect_vreg.gather [hbm4b:s9+s3], $0x80, v18, vm0, $0xb8;
	[tilespmem:$0x1EA00] =	vst v63  }
0x139: {  	v36 =	vperm.xlane v17, v0;
	s23 =	simm.s32 $0x3400;
	v18 =	vadd.s32 v3, v35  }
0x13a: {  	[tilespmem:s23], [sflag:$0x3] =	stream.indirect_vreg.gather [hbm4b:s9+s3], $0x80, v19, vm0, $0xb8;
	[tilespmem:$0x1EA00] =	vst v63  }
0x13b: {  	v37 =	vperm.xlane v17, v9;
	s24 =	simm.s32 $0x3480;
	v19 =	vadd.s32 v3, v36  }
0x13c: {  	[tilespmem:s24], [sflag:$0x3] =	stream.indirect_vreg.gather [hbm4b:s9+s3], $0x80, v34, vm0, $0xb8;
	[tilespmem:$0x1EA00] =	vst v63  }
0x13d: {  	v39 =	vperm.xlane v17, v10;
	v38 =	vadd.s32 v3, v37;
	s23 =	simm.s32 $0x3500  }
0x13e: {  	[tilespmem:s23], [sflag:$0x3] =	stream.indirect_vreg.gather [hbm4b:s9+s3], $0x80, v18, vm0, $0xb8;
	[tilespmem:$0x1EA00] =	vst v63  }
0x13f: {  	v40 =	vperm.xlane v17, v11;
	s24 =	simm.s32 $0x3580;
	v18 =	vadd.s32 v3, v39  }
0x140: {  	[tilespmem:s24], [sflag:$0x3] =	stream.indirect_vreg.gather [hbm4b:s9+s3], $0x80, v19, vm0, $0xb8;
	[tilespmem:$0x1EA00] =	vst v63  }
0x141: {  	v41 =	vperm.xlane v17, v12;
	s23 =	simm.s32 $0x3600;
	v19 =	vadd.s32 v3, v40  }
0x142: {  	[tilespmem:s23], [sflag:$0x3] =	stream.indirect_vreg.gather [hbm4b:s9+s3], $0x80, v38, vm0, $0xb8;
	[tilespmem:$0x1EA00] =	vst v63  }
0x143: {  	v43 =	vperm.xlane v17, v13;
	v42 =	vadd.s32 v3, v41;
	s24 =	simm.s32 $0x3680  }
0x144: {  	[tilespmem:s24], [sflag:$0x3] =	stream.indirect_vreg.gather [hbm4b:s9+s3], $0x80, v18, vm0, $0xb8;
	[tilespmem:$0x1EA00] =	vst v63  }
0x145: {  	v44 =	vperm.xlane v17, v14;
	s23 =	simm.s32 $0x3700;
	v18 =	vadd.s32 v3, v43  }
0x146: {  	[tilespmem:s23], [sflag:$0x3] =	stream.indirect_vreg.gather [hbm4b:s9+s3], $0x80, v19, vm0, $0xb8;
	[tilespmem:$0x1EA00] =	vst v63  }
0x147: {  	v45 =	vperm.xlane v17, v15;
	s24 =	simm.s32 $0x3780;
	v19 =	vadd.s32 v3, v44  }
0x148: {  	[tilespmem:s24], [sflag:$0x3] =	stream.indirect_vreg.gather [hbm4b:s9+s3], $0x80, v42, vm0, $0xb8;
	[tilespmem:$0x1EA00] =	vst v63  }
0x149: {  	v17 =	vperm.xlane v17, v16;
	v46 =	vadd.s32 v3, v45;
	s23 =	simm.s32 $0x3800  }
0x14a: {  	[tilespmem:s23], [sflag:$0x3] =	stream.indirect_vreg.gather [hbm4b:s9+s3], $0x80, v18, vm0, $0xb8;
	[tilespmem:$0x1EA00] =	vst v63  }
0x14b: {  	v17 =	vadd.s32 v3, v17;
	s24 =	simm.s32 $0x3880  }
0x14c: {  	[tilespmem:s24], [sflag:$0x3] =	stream.indirect_vreg.gather [hbm4b:s9+s3], $0x80, v19, vm0, $0xb8;
	[tilespmem:$0x1EA00] =	vst v63  }
0x14d: {  	s23 =	simm.s32 $0x3900  }
0x14e: {  	[tilespmem:s23], [sflag:$0x3] =	stream.indirect_vreg.gather [hbm4b:s9+s3], $0x80, v46, vm0, $0xb8;
	[tilespmem:$0x1EA00] =	vst v63  }
0x14f: {  	s24 =	simm.s32 $0x3980  }
0x150: {  	[tilespmem:s24], [sflag:$0x3] =	stream.indirect_vreg.gather [hbm4b:s9+s3], $0x80, v17, vm0, $0xb8;
	[tilespmem:$0x1EA00] =	vst v63  }
0x151: {  	v17 =	vld [tilespmem:$0x70];
	_ =	sdelay $0x4  }
0x152: {  	v18 =	vshll.u32 v17, $0x1  }
0x153: {  	v17 =	vand.u32 $0x7, v17;
	v18 =	vand.u32 $0xFFFFFFF0, v18  }
0x154: {  	v17 =	vor.u32 v17, v18  }
0x155: {  	v18 =	vperm.xlane v17, v2;
	_ =	sdelay $0x1  }
0x156: {  	v19 =	vperm.xlane v17, v1;
	v18 =	vadd.s32 v3, v18;
	_ =	sdelay $0x1  }
0x157: {  	v47 =	vperm.xlane v17, v4;
	v19 =	vadd.s32 v3, v19;
	_ =	sdelay $0x1  }
0x158: {  	s23 =	simm.s32 $0x3A00;
	v48 =	vperm.xlane v17, v5;
	v20 =	vadd.s32 v3, v47  }
0x159: {  	[tilespmem:s23], [sflag:$0x3] =	stream.indirect_vreg.gather [hbm4b:s9+s3], $0x80, v18, vm0, $0xb8;
	[tilespmem:$0x1EA00] =	vst v63  }
0x15a: {  	s24 =	simm.s32 $0x3A80;
	v49 =	vperm.xlane v17, v6;
	v18 =	vadd.s32 v3, v48  }
0x15b: {  	[tilespmem:s24], [sflag:$0x3] =	stream.indirect_vreg.gather [hbm4b:s9+s3], $0x80, v19, vm0, $0xb8;
	[tilespmem:$0x1EA00] =	vst v63  }
0x15c: {  	v50 =	vperm.xlane v17, v7;
	s23 =	simm.s32 $0x3B00;
	v19 =	vadd.s32 v3, v49  }
0x15d: {  	[tilespmem:s23], [sflag:$0x3] =	stream.indirect_vreg.gather [hbm4b:s9+s3], $0x80, v20, vm0, $0xb8;
	[tilespmem:$0x1EA00] =	vst v63  }
0x15e: {  	v52 =	vperm.xlane v17, v8;
	v51 =	vadd.s32 v3, v50;
	s24 =	simm.s32 $0x3B80  }
0x15f: {  	[tilespmem:s24], [sflag:$0x3] =	stream.indirect_vreg.gather [hbm4b:s9+s3], $0x80, v18, vm0, $0xb8;
	[tilespmem:$0x1EA00] =	vst v63  }
0x160: {  	v53 =	vperm.xlane v17, v0;
	s23 =	simm.s32 $0x3C00;
	v18 =	vadd.s32 v3, v52  }
0x161: {  	[tilespmem:s23], [sflag:$0x3] =	stream.indirect_vreg.gather [hbm4b:s9+s3], $0x80, v19, vm0, $0xb8;
	[tilespmem:$0x1EA00] =	vst v63  }
0x162: {  	v54 =	vperm.xlane v17, v9;
	s24 =	simm.s32 $0x3C80;
	v19 =	vadd.s32 v3, v53  }
0x163: {  	[tilespmem:s24], [sflag:$0x3] =	stream.indirect_vreg.gather [hbm4b:s9+s3], $0x80, v51, vm0, $0xb8;
	[tilespmem:$0x1EA00] =	vst v63  }
0x164: {  	v56 =	vperm.xlane v17, v10;
	v55 =	vadd.s32 v3, v54;
	s23 =	simm.s32 $0x3D00  }
0x165: {  	[tilespmem:s23], [sflag:$0x3] =	stream.indirect_vreg.gather [hbm4b:s9+s3], $0x80, v18, vm0, $0xb8;
	[tilespmem:$0x1EA00] =	vst v63  }
0x166: {  	v57 =	vperm.xlane v17, v11;
	s24 =	simm.s32 $0x3D80;
	v18 =	vadd.s32 v3, v56  }
0x167: {  	[tilespmem:s24], [sflag:$0x3] =	stream.indirect_vreg.gather [hbm4b:s9+s3], $0x80, v19, vm0, $0xb8;
	[tilespmem:$0x1EA00] =	vst v63  }
0x168: {  	v58 =	vperm.xlane v17, v12;
	s23 =	simm.s32 $0x3E00;
	v19 =	vadd.s32 v3, v57  }
0x169: {  	[tilespmem:s23], [sflag:$0x3] =	stream.indirect_vreg.gather [hbm4b:s9+s3], $0x80, v55, vm0, $0xb8;
	[tilespmem:$0x1EA00] =	vst v63  }
0x16a: {  	v60 =	vperm.xlane v17, v13;
	v59 =	vadd.s32 v3, v58;
	s24 =	simm.s32 $0x3E80  }
0x16b: {  	[tilespmem:s24], [sflag:$0x3] =	stream.indirect_vreg.gather [hbm4b:s9+s3], $0x80, v18, vm0, $0xb8;
	[tilespmem:$0x1EA00] =	vst v63  }
0x16c: {  	v61 =	vperm.xlane v17, v14;
	s23 =	simm.s32 $0x3F00;
	v18 =	vadd.s32 v3, v60  }
0x16d: {  	[tilespmem:s23], [sflag:$0x3] =	stream.indirect_vreg.gather [hbm4b:s9+s3], $0x80, v19, vm0, $0xb8;
	[tilespmem:$0x1EA00] =	vst v63  }
0x16e: {  	v62 =	vperm.xlane v17, v15;
	s24 =	simm.s32 $0x3F80;
	v19 =	vadd.s32 v3, v61  }
0x16f: {  	[tilespmem:s24], [sflag:$0x3] =	stream.indirect_vreg.gather [hbm4b:s9+s3], $0x80, v59, vm0, $0xb8;
	[tilespmem:$0x1EA00] =	vst v63  }
0x170: {  	v17 =	vperm.xlane v17, v16;
	v63 =	vadd.s32 v3, v62;
	s23 =	simm.s32 $0x4000  }
0x171: {  	[tilespmem:s23], [sflag:$0x3] =	stream.indirect_vreg.gather [hbm4b:s9+s3], $0x80, v18, vm0, $0xb8;
	[tilespmem:$0x1EA00] =	vst v63  }
0x172: {  	v17 =	vadd.s32 v3, v17;
	s24 =	simm.s32 $0x4080  }
0x173: {  	[tilespmem:s24], [sflag:$0x3] =	stream.indirect_vreg.gather [hbm4b:s9+s3], $0x80, v19, vm0, $0xb8;
	[tilespmem:$0x1EA00] =	vst v63  }
0x174: {  	s23 =	simm.s32 $0x4100  }
0x175: {  	[tilespmem:s23], [sflag:$0x3] =	stream.indirect_vreg.gather [hbm4b:s9+s3], $0x80, v63, vm0, $0xb8;
	[tilespmem:$0x1EA00] =	vst v63  }
0x176: {  	s22 =	simm.s32 $0xFFFFF640;
	s24 =	simm.s32 $0x4180  }
0x177: {  	[tilespmem:s24], [sflag:$0x3] =	stream.indirect_vreg.gather [hbm4b:s9+s3], $0x80, v17, vm0, $0xb8;
	[tilespmem:$0x1EA00] =	vst v63  }
.LBB2_2:
0x178: {  	_ =	swait.ge [sflag:s11], $0x100  }
0x179: {  	[sflag:s11] =	ssyncset.done $0x0  }
0x17a: {  	[sflag:s11] =	ssyncadd.s32 $0xFFFFFF00  }
0x17b: {  	v17 =	vld [tilespmem:$0x100];
	_ =	sdelay $0x4  }
0x17c: {  	v18 =	vshll.u32 v17, $0x1  }
0x17d: {  	v17 =	vand.u32 $0x7, v17;
	v18 =	vand.u32 $0xFFFFFFF0, v18  }
0x17e: {  	v17 =	vor.u32 v17, v18  }
0x17f: {  	v18 =	vperm.xlane v17, v2;
	_ =	sdelay $0x1  }
0x180: {  	v19 =	vperm.xlane v17, v1;
	v18 =	vadd.s32 v3, v18;
	_ =	sdelay $0x1  }
0x181: {  	v20 =	vperm.xlane v17, v4;
	v19 =	vadd.s32 v3, v19;
	_ =	sdelay $0x1  }
0x182: {  	v21 =	vperm.xlane v17, v5;
	v20 =	vadd.s32 v3, v20  }
0x183: {  	[tilespmem:s12], [sflag:$0x4] =	stream.indirect_vreg.gather [hbm4b:s9+s3], $0x80, v18, vm0, $0xb8;
	[tilespmem:$0x1EA00] =	vst v63  }
0x184: {  	s23 =	simm.s32 $0x4280;
	v50 =	vperm.xlane v17, v6;
	v18 =	vadd.s32 v3, v21  }
0x185: {  	[tilespmem:s23], [sflag:$0x4] =	stream.indirect_vreg.gather [hbm4b:s9+s3], $0x80, v19, vm0, $0xb8;
	[tilespmem:$0x1EA00] =	vst v63  }
0x186: {  	s24 =	simm.s32 $0x4300;
	v51 =	vperm.xlane v17, v7;
	v19 =	vadd.s32 v3, v50  }
0x187: {  	[tilespmem:s24], [sflag:$0x4] =	stream.indirect_vreg.gather [hbm4b:s9+s3], $0x80, v20, vm0, $0xb8;
	[tilespmem:$0x1EA00] =	vst v63  }
0x188: {  	v53 =	vperm.xlane v17, v8;
	v52 =	vadd.s32 v3, v51;
	s24 =	simm.s32 $0x4380  }
0x189: {  	[tilespmem:s24], [sflag:$0x4] =	stream.indirect_vreg.gather [hbm4b:s9+s3], $0x80, v18, vm0, $0xb8;
	[tilespmem:$0x1EA00] =	vst v63  }
0x18a: {  	v54 =	vperm.xlane v17, v0;
	v18 =	vadd.s32 v3, v53;
	s24 =	simm.s32 $0x4400  }
0x18b: {  	[tilespmem:s24], [sflag:$0x4] =	stream.indirect_vreg.gather [hbm4b:s9+s3], $0x80, v19, vm0, $0xb8;
	[tilespmem:$0x1EA00] =	vst v63  }
0x18c: {  	v55 =	vperm.xlane v17, v9;
	v19 =	vadd.s32 v3, v54;
	s24 =	simm.s32 $0x4480  }
0x18d: {  	[tilespmem:s24], [sflag:$0x4] =	stream.indirect_vreg.gather [hbm4b:s9+s3], $0x80, v52, vm0, $0xb8;
	[tilespmem:$0x1EA00] =	vst v63  }
0x18e: {  	v57 =	vperm.xlane v17, v10;
	v56 =	vadd.s32 v3, v55;
	s24 =	simm.s32 $0x4500  }
0x18f: {  	[tilespmem:s24], [sflag:$0x4] =	stream.indirect_vreg.gather [hbm4b:s9+s3], $0x80, v18, vm0, $0xb8;
	[tilespmem:$0x1EA00] =	vst v63  }
0x190: {  	v58 =	vperm.xlane v17, v11;
	v18 =	vadd.s32 v3, v57;
	s24 =	simm.s32 $0x4580  }
0x191: {  	[tilespmem:s24], [sflag:$0x4] =	stream.indirect_vreg.gather [hbm4b:s9+s3], $0x80, v19, vm0, $0xb8;
	[tilespmem:$0x1EA00] =	vst v63  }
0x192: {  	v59 =	vperm.xlane v17, v12;
	v19 =	vadd.s32 v3, v58;
	s24 =	simm.s32 $0x4600  }
0x193: {  	[tilespmem:s24], [sflag:$0x4] =	stream.indirect_vreg.gather [hbm4b:s9+s3], $0x80, v56, vm0, $0xb8;
	[tilespmem:$0x1EA00] =	vst v63  }
0x194: {  	v61 =	vperm.xlane v17, v13;
	v60 =	vadd.s32 v3, v59;
	s24 =	simm.s32 $0x4680  }
0x195: {  	[tilespmem:s24], [sflag:$0x4] =	stream.indirect_vreg.gather [hbm4b:s9+s3], $0x80, v18, vm0, $0xb8;
	[tilespmem:$0x1EA00] =	vst v63  }
0x196: {  	v62 =	vperm.xlane v17, v14;
	v18 =	vadd.s32 v3, v61;
	s24 =	simm.s32 $0x4700  }
0x197: {  	[tilespmem:s24], [sflag:$0x4] =	stream.indirect_vreg.gather [hbm4b:s9+s3], $0x80, v19, vm0, $0xb8;
	[tilespmem:$0x1EA00] =	vst v63  }
0x198: {  	v63 =	vperm.xlane v17, v15;
	v19 =	vadd.s32 v3, v62;
	s24 =	simm.s32 $0x4780  }
0x199: {  	[tilespmem:s24], [sflag:$0x4] =	stream.indirect_vreg.gather [hbm4b:s9+s3], $0x80, v60, vm0, $0xb8;
	[tilespmem:$0x1EA00] =	vst v63  }
0x19a: {  	v17 =	vperm.xlane v17, v16;
	v24 =	vadd.s32 v3, v63;
	s24 =	simm.s32 $0x4800  }
0x19b: {  	[tilespmem:s24], [sflag:$0x4] =	stream.indirect_vreg.gather [hbm4b:s9+s3], $0x80, v18, vm0, $0xb8;
	[tilespmem:$0x1EA00] =	vst v63  }
0x19c: {  	v17 =	vadd.s32 v3, v17;
	s24 =	simm.s32 $0x4880  }
0x19d: {  	[tilespmem:s24], [sflag:$0x4] =	stream.indirect_vreg.gather [hbm4b:s9+s3], $0x80, v19, vm0, $0xb8;
	[tilespmem:$0x1EA00] =	vst v63  }
0x19e: {  	s24 =	simm.s32 $0x4900  }
0x19f: {  	[tilespmem:s24], [sflag:$0x4] =	stream.indirect_vreg.gather [hbm4b:s9+s3], $0x80, v24, vm0, $0xb8;
	[tilespmem:$0x1EA00] =	vst v63  }
0x1a0: {  	s24 =	simm.s32 $0x4980  }
0x1a1: {  	[tilespmem:s24], [sflag:$0x4] =	stream.indirect_vreg.gather [hbm4b:s9+s3], $0x80, v17, vm0, $0xb8;
	[tilespmem:$0x1EA00] =	vst v63  }
0x1a2: {  	v17 =	vld [tilespmem:$0x110];
	_ =	sdelay $0x4  }
0x1a3: {  	v18 =	vshll.u32 v17, $0x1  }
0x1a4: {  	v17 =	vand.u32 $0x7, v17;
	v18 =	vand.u32 $0xFFFFFFF0, v18  }
0x1a5: {  	v17 =	vor.u32 v17, v18  }
0x1a6: {  	v18 =	vperm.xlane v17, v2;
	_ =	sdelay $0x1  }
0x1a7: {  	v19 =	vperm.xlane v17, v1;
	v18 =	vadd.s32 v3, v18;
	_ =	sdelay $0x1  }
0x1a8: {  	v25 =	vperm.xlane v17, v4;
	v19 =	vadd.s32 v3, v19;
	_ =	sdelay $0x1  }
0x1a9: {  	s24 =	simm.s32 $0x4A00;
	v26 =	vperm.xlane v17, v5;
	v20 =	vadd.s32 v3, v25  }
0x1aa: {  	[tilespmem:s24], [sflag:$0x4] =	stream.indirect_vreg.gather [hbm4b:s9+s3], $0x80, v18, vm0, $0xb8;
	[tilespmem:$0x1EA00] =	vst v63  }
0x1ab: {  	v27 =	vperm.xlane v17, v6;
	v18 =	vadd.s32 v3, v26;
	s24 =	simm.s32 $0x4A80  }
0x1ac: {  	[tilespmem:s24], [sflag:$0x4] =	stream.indirect_vreg.gather [hbm4b:s9+s3], $0x80, v19, vm0, $0xb8;
	[tilespmem:$0x1EA00] =	vst v63  }
0x1ad: {  	v28 =	vperm.xlane v17, v7;
	v19 =	vadd.s32 v3, v27;
	s24 =	simm.s32 $0x4B00  }
0x1ae: {  	[tilespmem:s24], [sflag:$0x4] =	stream.indirect_vreg.gather [hbm4b:s9+s3], $0x80, v20, vm0, $0xb8;
	[tilespmem:$0x1EA00] =	vst v63  }
0x1af: {  	v30 =	vperm.xlane v17, v8;
	v29 =	vadd.s32 v3, v28;
	s24 =	simm.s32 $0x4B80  }
0x1b0: {  	[tilespmem:s24], [sflag:$0x4] =	stream.indirect_vreg.gather [hbm4b:s9+s3], $0x80, v18, vm0, $0xb8;
	[tilespmem:$0x1EA00] =	vst v63  }
0x1b1: {  	v31 =	vperm.xlane v17, v0;
	v18 =	vadd.s32 v3, v30;
	s24 =	simm.s32 $0x4C00  }
0x1b2: {  	[tilespmem:s24], [sflag:$0x4] =	stream.indirect_vreg.gather [hbm4b:s9+s3], $0x80, v19, vm0, $0xb8;
	[tilespmem:$0x1EA00] =	vst v63  }
0x1b3: {  	v32 =	vperm.xlane v17, v9;
	v19 =	vadd.s32 v3, v31;
	s24 =	simm.s32 $0x4C80  }
0x1b4: {  	[tilespmem:s24], [sflag:$0x4] =	stream.indirect_vreg.gather [hbm4b:s9+s3], $0x80, v29, vm0, $0xb8;
	[tilespmem:$0x1EA00] =	vst v63  }
0x1b5: {  	v34 =	vperm.xlane v17, v10;
	v33 =	vadd.s32 v3, v32;
	s24 =	simm.s32 $0x4D00  }
0x1b6: {  	[tilespmem:s24], [sflag:$0x4] =	stream.indirect_vreg.gather [hbm4b:s9+s3], $0x80, v18, vm0, $0xb8;
	[tilespmem:$0x1EA00] =	vst v63  }
0x1b7: {  	v35 =	vperm.xlane v17, v11;
	v18 =	vadd.s32 v3, v34;
	s24 =	simm.s32 $0x4D80  }
0x1b8: {  	[tilespmem:s24], [sflag:$0x4] =	stream.indirect_vreg.gather [hbm4b:s9+s3], $0x80, v19, vm0, $0xb8;
	[tilespmem:$0x1EA00] =	vst v63  }
0x1b9: {  	v36 =	vperm.xlane v17, v12;
	v19 =	vadd.s32 v3, v35;
	s24 =	simm.s32 $0x4E00  }
0x1ba: {  	[tilespmem:s24], [sflag:$0x4] =	stream.indirect_vreg.gather [hbm4b:s9+s3], $0x80, v33, vm0, $0xb8;
	[tilespmem:$0x1EA00] =	vst v63  }
0x1bb: {  	v38 =	vperm.xlane v17, v13;
	v37 =	vadd.s32 v3, v36;
	s24 =	simm.s32 $0x4E80  }
0x1bc: {  	[tilespmem:s24], [sflag:$0x4] =	stream.indirect_vreg.gather [hbm4b:s9+s3], $0x80, v18, vm0, $0xb8;
	[tilespmem:$0x1EA00] =	vst v63  }
0x1bd: {  	v39 =	vperm.xlane v17, v14;
	v18 =	vadd.s32 v3, v38;
	s24 =	simm.s32 $0x4F00  }
0x1be: {  	[tilespmem:s24], [sflag:$0x4] =	stream.indirect_vreg.gather [hbm4b:s9+s3], $0x80, v19, vm0, $0xb8;
	[tilespmem:$0x1EA00] =	vst v63  }
0x1bf: {  	v40 =	vperm.xlane v17, v15;
	v19 =	vadd.s32 v3, v39;
	s24 =	simm.s32 $0x4F80  }
0x1c0: {  	[tilespmem:s24], [sflag:$0x4] =	stream.indirect_vreg.gather [hbm4b:s9+s3], $0x80, v37, vm0, $0xb8;
	[tilespmem:$0x1EA00] =	vst v63  }
0x1c1: {  	v17 =	vperm.xlane v17, v16;
	v41 =	vadd.s32 v3, v40;
	s24 =	simm.s32 $0x5000  }
0x1c2: {  	[tilespmem:s24], [sflag:$0x4] =	stream.indirect_vreg.gather [hbm4b:s9+s3], $0x80, v18, vm0, $0xb8;
	[tilespmem:$0x1EA00] =	vst v63  }
0x1c3: {  	v17 =	vadd.s32 v3, v17;
	s24 =	simm.s32 $0x5080  }
0x1c4: {  	[tilespmem:s24], [sflag:$0x4] =	stream.indirect_vreg.gather [hbm4b:s9+s3], $0x80, v19, vm0, $0xb8;
	[tilespmem:$0x1EA00] =	vst v63  }
0x1c5: {  	s24 =	simm.s32 $0x5100  }
0x1c6: {  	[tilespmem:s24], [sflag:$0x4] =	stream.indirect_vreg.gather [hbm4b:s9+s3], $0x80, v41, vm0, $0xb8;
	[tilespmem:$0x1EA00] =	vst v63  }
0x1c7: {  	s24 =	simm.s32 $0x5180  }
0x1c8: {  	[tilespmem:s24], [sflag:$0x4] =	stream.indirect_vreg.gather [hbm4b:s9+s3], $0x80, v17, vm0, $0xb8;
	[tilespmem:$0x1EA00] =	vst v63  }
0x1c9: {  	v17 =	vld [tilespmem:$0x120];
	_ =	sdelay $0x4  }
0x1ca: {  	v18 =	vshll.u32 v17, $0x1  }
0x1cb: {  	v17 =	vand.u32 $0x7, v17;
	v18 =	vand.u32 $0xFFFFFFF0, v18  }
0x1cc: {  	v17 =	vor.u32 v17, v18  }
0x1cd: {  	v18 =	vperm.xlane v17, v2;
	_ =	sdelay $0x1  }
0x1ce: {  	v19 =	vperm.xlane v17, v1;
	v18 =	vadd.s32 v3, v18;
	_ =	sdelay $0x1  }
0x1cf: {  	v42 =	vperm.xlane v17, v4;
	v19 =	vadd.s32 v3, v19;
	_ =	sdelay $0x1  }
0x1d0: {  	s24 =	simm.s32 $0x5200;
	v43 =	vperm.xlane v17, v5;
	v20 =	vadd.s32 v3, v42  }
0x1d1: {  	[tilespmem:s24], [sflag:$0x4] =	stream.indirect_vreg.gather [hbm4b:s9+s3], $0x80, v18, vm0, $0xb8;
	[tilespmem:$0x1EA00] =	vst v63  }
0x1d2: {  	v44 =	vperm.xlane v17, v6;
	v18 =	vadd.s32 v3, v43;
	s24 =	simm.s32 $0x5280  }
0x1d3: {  	[tilespmem:s24], [sflag:$0x4] =	stream.indirect_vreg.gather [hbm4b:s9+s3], $0x80, v19, vm0, $0xb8;
	[tilespmem:$0x1EA00] =	vst v63  }
0x1d4: {  	v45 =	vperm.xlane v17, v7;
	v19 =	vadd.s32 v3, v44;
	s24 =	simm.s32 $0x5300  }
0x1d5: {  	[tilespmem:s24], [sflag:$0x4] =	stream.indirect_vreg.gather [hbm4b:s9+s3], $0x80, v20, vm0, $0xb8;
	[tilespmem:$0x1EA00] =	vst v63  }
0x1d6: {  	v47 =	vperm.xlane v17, v8;
	v46 =	vadd.s32 v3, v45;
	s24 =	simm.s32 $0x5380  }
0x1d7: {  	[tilespmem:s24], [sflag:$0x4] =	stream.indirect_vreg.gather [hbm4b:s9+s3], $0x80, v18, vm0, $0xb8;
	[tilespmem:$0x1EA00] =	vst v63  }
0x1d8: {  	v48 =	vperm.xlane v17, v0;
	v18 =	vadd.s32 v3, v47;
	s24 =	simm.s32 $0x5400  }
0x1d9: {  	[tilespmem:s24], [sflag:$0x4] =	stream.indirect_vreg.gather [hbm4b:s9+s3], $0x80, v19, vm0, $0xb8;
	[tilespmem:$0x1EA00] =	vst v63  }
0x1da: {  	v49 =	vperm.xlane v17, v9;
	v19 =	vadd.s32 v3, v48;
	s24 =	simm.s32 $0x5480  }
0x1db: {  	[tilespmem:s24], [sflag:$0x4] =	stream.indirect_vreg.gather [hbm4b:s9+s3], $0x80, v46, vm0, $0xb8;
	[tilespmem:$0x1EA00] =	vst v63  }
0x1dc: {  	v51 =	vperm.xlane v17, v10;
	v50 =	vadd.s32 v3, v49;
	s24 =	simm.s32 $0x5500  }
0x1dd: {  	[tilespmem:s24], [sflag:$0x4] =	stream.indirect_vreg.gather [hbm4b:s9+s3], $0x80, v18, vm0, $0xb8;
	[tilespmem:$0x1EA00] =	vst v63  }
0x1de: {  	v52 =	vperm.xlane v17, v11;
	v18 =	vadd.s32 v3, v51;
	s24 =	simm.s32 $0x5580  }
0x1df: {  	[tilespmem:s24], [sflag:$0x4] =	stream.indirect_vreg.gather [hbm4b:s9+s3], $0x80, v19, vm0, $0xb8;
	[tilespmem:$0x1EA00] =	vst v63  }
0x1e0: {  	v53 =	vperm.xlane v17, v12;
	v19 =	vadd.s32 v3, v52;
	s24 =	simm.s32 $0x5600  }
0x1e1: {  	[tilespmem:s24], [sflag:$0x4] =	stream.indirect_vreg.gather [hbm4b:s9+s3], $0x80, v50, vm0, $0xb8;
	[tilespmem:$0x1EA00] =	vst v63  }
0x1e2: {  	v55 =	vperm.xlane v17, v13;
	v54 =	vadd.s32 v3, v53;
	s24 =	simm.s32 $0x5680  }
0x1e3: {  	[tilespmem:s24], [sflag:$0x4] =	stream.indirect_vreg.gather [hbm4b:s9+s3], $0x80, v18, vm0, $0xb8;
	[tilespmem:$0x1EA00] =	vst v63  }
0x1e4: {  	v56 =	vperm.xlane v17, v14;
	v18 =	vadd.s32 v3, v55;
	s24 =	simm.s32 $0x5700  }
0x1e5: {  	[tilespmem:s24], [sflag:$0x4] =	stream.indirect_vreg.gather [hbm4b:s9+s3], $0x80, v19, vm0, $0xb8;
	[tilespmem:$0x1EA00] =	vst v63  }
0x1e6: {  	v57 =	vperm.xlane v17, v15;
	v19 =	vadd.s32 v3, v56;
	s24 =	simm.s32 $0x5780  }
0x1e7: {  	[tilespmem:s24], [sflag:$0x4] =	stream.indirect_vreg.gather [hbm4b:s9+s3], $0x80, v54, vm0, $0xb8;
	[tilespmem:$0x1EA00] =	vst v63  }
0x1e8: {  	v17 =	vperm.xlane v17, v16;
	v58 =	vadd.s32 v3, v57;
	s24 =	simm.s32 $0x5800  }
0x1e9: {  	[tilespmem:s24], [sflag:$0x4] =	stream.indirect_vreg.gather [hbm4b:s9+s3], $0x80, v18, vm0, $0xb8;
	[tilespmem:$0x1EA00] =	vst v63  }
0x1ea: {  	v17 =	vadd.s32 v3, v17;
	s24 =	simm.s32 $0x5880  }
0x1eb: {  	[tilespmem:s24], [sflag:$0x4] =	stream.indirect_vreg.gather [hbm4b:s9+s3], $0x80, v19, vm0, $0xb8;
	[tilespmem:$0x1EA00] =	vst v63  }
0x1ec: {  	s24 =	simm.s32 $0x5900  }
0x1ed: {  	[tilespmem:s24], [sflag:$0x4] =	stream.indirect_vreg.gather [hbm4b:s9+s3], $0x80, v58, vm0, $0xb8;
	[tilespmem:$0x1EA00] =	vst v63  }
0x1ee: {  	s24 =	simm.s32 $0x5980  }
0x1ef: {  	[tilespmem:s24], [sflag:$0x4] =	stream.indirect_vreg.gather [hbm4b:s9+s3], $0x80, v17, vm0, $0xb8;
	[tilespmem:$0x1EA00] =	vst v63  }
0x1f0: {  	v17 =	vld [tilespmem:$0x130];
	_ =	sdelay $0x4  }
0x1f1: {  	v18 =	vshll.u32 v17, $0x1  }
0x1f2: {  	v17 =	vand.u32 $0x7, v17;
	v18 =	vand.u32 $0xFFFFFFF0, v18  }
0x1f3: {  	v17 =	vor.u32 v17, v18  }
0x1f4: {  	v18 =	vperm.xlane v17, v2;
	_ =	sdelay $0x1  }
0x1f5: {  	v19 =	vperm.xlane v17, v1;
	v18 =	vadd.s32 v3, v18;
	_ =	sdelay $0x1  }
0x1f6: {  	v59 =	vperm.xlane v17, v4;
	v19 =	vadd.s32 v3, v19;
	_ =	sdelay $0x1  }
0x1f7: {  	s24 =	simm.s32 $0x5A00;
	v60 =	vperm.xlane v17, v5;
	v20 =	vadd.s32 v3, v59  }
0x1f8: {  	[tilespmem:s24], [sflag:$0x4] =	stream.indirect_vreg.gather [hbm4b:s9+s3], $0x80, v18, vm0, $0xb8;
	[tilespmem:$0x1EA00] =	vst v63  }
0x1f9: {  	v61 =	vperm.xlane v17, v6;
	v18 =	vadd.s32 v3, v60;
	s24 =	simm.s32 $0x5A80  }
0x1fa: {  	[tilespmem:s24], [sflag:$0x4] =	stream.indirect_vreg.gather [hbm4b:s9+s3], $0x80, v19, vm0, $0xb8;
	[tilespmem:$0x1EA00] =	vst v63  }
0x1fb: {  	v62 =	vperm.xlane v17, v7;
	v19 =	vadd.s32 v3, v61;
	s24 =	simm.s32 $0x5B00  }
0x1fc: {  	[tilespmem:s24], [sflag:$0x4] =	stream.indirect_vreg.gather [hbm4b:s9+s3], $0x80, v20, vm0, $0xb8;
	[tilespmem:$0x1EA00] =	vst v63  }
0x1fd: {  	v24 =	vperm.xlane v17, v8;
	v63 =	vadd.s32 v3, v62;
	s24 =	simm.s32 $0x5B80  }
0x1fe: {  	[tilespmem:s24], [sflag:$0x4] =	stream.indirect_vreg.gather [hbm4b:s9+s3], $0x80, v18, vm0, $0xb8;
	[tilespmem:$0x1EA00] =	vst v63  }
0x1ff: {  	v25 =	vperm.xlane v17, v0;
	v18 =	vadd.s32 v3, v24;
	s24 =	simm.s32 $0x5C00  }
0x200: {  	[tilespmem:s24], [sflag:$0x4] =	stream.indirect_vreg.gather [hbm4b:s9+s3], $0x80, v19, vm0, $0xb8;
	[tilespmem:$0x1EA00] =	vst v63  }
0x201: {  	v26 =	vperm.xlane v17, v9;
	v19 =	vadd.s32 v3, v25;
	s24 =	simm.s32 $0x5C80  }
0x202: {  	[tilespmem:s24], [sflag:$0x4] =	stream.indirect_vreg.gather [hbm4b:s9+s3], $0x80, v63, vm0, $0xb8;
	[tilespmem:$0x1EA00] =	vst v63  }
0x203: {  	v28 =	vperm.xlane v17, v10;
	v27 =	vadd.s32 v3, v26;
	s24 =	simm.s32 $0x5D00  }
0x204: {  	[tilespmem:s24], [sflag:$0x4] =	stream.indirect_vreg.gather [hbm4b:s9+s3], $0x80, v18, vm0, $0xb8;
	[tilespmem:$0x1EA00] =	vst v63  }
0x205: {  	v29 =	vperm.xlane v17, v11;
	v18 =	vadd.s32 v3, v28;
	s24 =	simm.s32 $0x5D80  }
0x206: {  	[tilespmem:s24], [sflag:$0x4] =	stream.indirect_vreg.gather [hbm4b:s9+s3], $0x80, v19, vm0, $0xb8;
	[tilespmem:$0x1EA00] =	vst v63  }
0x207: {  	v30 =	vperm.xlane v17, v12;
	v19 =	vadd.s32 v3, v29;
	s24 =	simm.s32 $0x5E00  }
0x208: {  	[tilespmem:s24], [sflag:$0x4] =	stream.indirect_vreg.gather [hbm4b:s9+s3], $0x80, v27, vm0, $0xb8;
	[tilespmem:$0x1EA00] =	vst v63  }
0x209: {  	v32 =	vperm.xlane v17, v13;
	v31 =	vadd.s32 v3, v30;
	s24 =	simm.s32 $0x5E80  }
0x20a: {  	[tilespmem:s24], [sflag:$0x4] =	stream.indirect_vreg.gather [hbm4b:s9+s3], $0x80, v18, vm0, $0xb8;
	[tilespmem:$0x1EA00] =	vst v63  }
0x20b: {  	v33 =	vperm.xlane v17, v14;
	v18 =	vadd.s32 v3, v32;
	s24 =	simm.s32 $0x5F00  }
0x20c: {  	[tilespmem:s24], [sflag:$0x4] =	stream.indirect_vreg.gather [hbm4b:s9+s3], $0x80, v19, vm0, $0xb8;
	[tilespmem:$0x1EA00] =	vst v63  }
0x20d: {  	v34 =	vperm.xlane v17, v15;
	v19 =	vadd.s32 v3, v33;
	s24 =	simm.s32 $0x5F80  }
0x20e: {  	[tilespmem:s24], [sflag:$0x4] =	stream.indirect_vreg.gather [hbm4b:s9+s3], $0x80, v31, vm0, $0xb8;
	[tilespmem:$0x1EA00] =	vst v63  }
0x20f: {  	v17 =	vperm.xlane v17, v16;
	v35 =	vadd.s32 v3, v34;
	s24 =	simm.s32 $0x6000  }
0x210: {  	[tilespmem:s24], [sflag:$0x4] =	stream.indirect_vreg.gather [hbm4b:s9+s3], $0x80, v18, vm0, $0xb8;
	[tilespmem:$0x1EA00] =	vst v63  }
0x211: {  	v17 =	vadd.s32 v3, v17;
	s24 =	simm.s32 $0x6080  }
0x212: {  	[tilespmem:s24], [sflag:$0x4] =	stream.indirect_vreg.gather [hbm4b:s9+s3], $0x80, v19, vm0, $0xb8;
	[tilespmem:$0x1EA00] =	vst v63  }
0x213: {  	s24 =	simm.s32 $0x6100  }
0x214: {  	[tilespmem:s24], [sflag:$0x4] =	stream.indirect_vreg.gather [hbm4b:s9+s3], $0x80, v35, vm0, $0xb8;
	[tilespmem:$0x1EA00] =	vst v63  }
0x215: {  	s24 =	simm.s32 $0x6180  }
0x216: {  	[tilespmem:s24], [sflag:$0x4] =	stream.indirect_vreg.gather [hbm4b:s9+s3], $0x80, v17, vm0, $0xb8;
	[tilespmem:$0x1EA00] =	vst v63  }
0x217: {  	v17 =	vld [tilespmem:$0x140];
	_ =	sdelay $0x4  }
0x218: {  	v18 =	vshll.u32 v17, $0x1  }
0x219: {  	v17 =	vand.u32 $0x7, v17;
	v18 =	vand.u32 $0xFFFFFFF0, v18  }
0x21a: {  	v17 =	vor.u32 v17, v18  }
0x21b: {  	v18 =	vperm.xlane v17, v2;
	_ =	sdelay $0x1  }
0x21c: {  	v19 =	vperm.xlane v17, v1;
	v18 =	vadd.s32 v3, v18;
	_ =	sdelay $0x1  }
0x21d: {  	v36 =	vperm.xlane v17, v4;
	v19 =	vadd.s32 v3, v19;
	_ =	sdelay $0x1  }
0x21e: {  	s24 =	simm.s32 $0x6200;
	v37 =	vperm.xlane v17, v5;
	v20 =	vadd.s32 v3, v36  }
0x21f: {  	[tilespmem:s24], [sflag:$0x4] =	stream.indirect_vreg.gather [hbm4b:s9+s3], $0x80, v18, vm0, $0xb8;
	[tilespmem:$0x1EA00] =	vst v63  }
0x220: {  	v38 =	vperm.xlane v17, v6;
	v18 =	vadd.s32 v3, v37;
	s24 =	simm.s32 $0x6280  }
0x221: {  	[tilespmem:s24], [sflag:$0x4] =	stream.indirect_vreg.gather [hbm4b:s9+s3], $0x80, v19, vm0, $0xb8;
	[tilespmem:$0x1EA00] =	vst v63  }
0x222: {  	v39 =	vperm.xlane v17, v7;
	v19 =	vadd.s32 v3, v38;
	s24 =	simm.s32 $0x6300  }
0x223: {  	[tilespmem:s24], [sflag:$0x4] =	stream.indirect_vreg.gather [hbm4b:s9+s3], $0x80, v20, vm0, $0xb8;
	[tilespmem:$0x1EA00] =	vst v63  }
0x224: {  	v41 =	vperm.xlane v17, v8;
	v40 =	vadd.s32 v3, v39;
	s24 =	simm.s32 $0x6380  }
0x225: {  	[tilespmem:s24], [sflag:$0x4] =	stream.indirect_vreg.gather [hbm4b:s9+s3], $0x80, v18, vm0, $0xb8;
	[tilespmem:$0x1EA00] =	vst v63  }
0x226: {  	v42 =	vperm.xlane v17, v0;
	v18 =	vadd.s32 v3, v41;
	s24 =	simm.s32 $0x6400  }
0x227: {  	[tilespmem:s24], [sflag:$0x4] =	stream.indirect_vreg.gather [hbm4b:s9+s3], $0x80, v19, vm0, $0xb8;
	[tilespmem:$0x1EA00] =	vst v63  }
0x228: {  	v43 =	vperm.xlane v17, v9;
	v19 =	vadd.s32 v3, v42;
	s24 =	simm.s32 $0x6480  }
0x229: {  	[tilespmem:s24], [sflag:$0x4] =	stream.indirect_vreg.gather [hbm4b:s9+s3], $0x80, v40, vm0, $0xb8;
	[tilespmem:$0x1EA00] =	vst v63  }
0x22a: {  	v45 =	vperm.xlane v17, v10;
	v44 =	vadd.s32 v3, v43;
	s24 =	simm.s32 $0x6500  }
0x22b: {  	[tilespmem:s24], [sflag:$0x4] =	stream.indirect_vreg.gather [hbm4b:s9+s3], $0x80, v18, vm0, $0xb8;
	[tilespmem:$0x1EA00] =	vst v63  }
0x22c: {  	v46 =	vperm.xlane v17, v11;
	v18 =	vadd.s32 v3, v45;
	s24 =	simm.s32 $0x6580  }
0x22d: {  	[tilespmem:s24], [sflag:$0x4] =	stream.indirect_vreg.gather [hbm4b:s9+s3], $0x80, v19, vm0, $0xb8;
	[tilespmem:$0x1EA00] =	vst v63  }
0x22e: {  	v47 =	vperm.xlane v17, v12;
	v19 =	vadd.s32 v3, v46;
	s24 =	simm.s32 $0x6600  }
0x22f: {  	[tilespmem:s24], [sflag:$0x4] =	stream.indirect_vreg.gather [hbm4b:s9+s3], $0x80, v44, vm0, $0xb8;
	[tilespmem:$0x1EA00] =	vst v63  }
0x230: {  	v49 =	vperm.xlane v17, v13;
	v48 =	vadd.s32 v3, v47;
	s24 =	simm.s32 $0x6680  }
0x231: {  	[tilespmem:s24], [sflag:$0x4] =	stream.indirect_vreg.gather [hbm4b:s9+s3], $0x80, v18, vm0, $0xb8;
	[tilespmem:$0x1EA00] =	vst v63  }
0x232: {  	v50 =	vperm.xlane v17, v14;
	v18 =	vadd.s32 v3, v49;
	s24 =	simm.s32 $0x6700  }
0x233: {  	[tilespmem:s24], [sflag:$0x4] =	stream.indirect_vreg.gather [hbm4b:s9+s3], $0x80, v19, vm0, $0xb8;
	[tilespmem:$0x1EA00] =	vst v63  }
0x234: {  	v51 =	vperm.xlane v17, v15;
	v19 =	vadd.s32 v3, v50;
	s24 =	simm.s32 $0x6780  }
0x235: {  	[tilespmem:s24], [sflag:$0x4] =	stream.indirect_vreg.gather [hbm4b:s9+s3], $0x80, v48, vm0, $0xb8;
	[tilespmem:$0x1EA00] =	vst v63  }
0x236: {  	v17 =	vperm.xlane v17, v16;
	v52 =	vadd.s32 v3, v51;
	s24 =	simm.s32 $0x6800  }
0x237: {  	[tilespmem:s24], [sflag:$0x4] =	stream.indirect_vreg.gather [hbm4b:s9+s3], $0x80, v18, vm0, $0xb8;
	[tilespmem:$0x1EA00] =	vst v63  }
0x238: {  	v17 =	vadd.s32 v3, v17;
	s24 =	simm.s32 $0x6880  }
0x239: {  	[tilespmem:s24], [sflag:$0x4] =	stream.indirect_vreg.gather [hbm4b:s9+s3], $0x80, v19, vm0, $0xb8;
	[tilespmem:$0x1EA00] =	vst v63  }
0x23a: {  	s24 =	simm.s32 $0x6900  }
0x23b: {  	[tilespmem:s24], [sflag:$0x4] =	stream.indirect_vreg.gather [hbm4b:s9+s3], $0x80, v52, vm0, $0xb8;
	[tilespmem:$0x1EA00] =	vst v63  }
0x23c: {  	s24 =	simm.s32 $0x6980  }
0x23d: {  	[tilespmem:s24], [sflag:$0x4] =	stream.indirect_vreg.gather [hbm4b:s9+s3], $0x80, v17, vm0, $0xb8;
	[tilespmem:$0x1EA00] =	vst v63  }
0x23e: {  	v17 =	vld [tilespmem:$0x150];
	_ =	sdelay $0x4  }
0x23f: {  	v18 =	vshll.u32 v17, $0x1  }
0x240: {  	v17 =	vand.u32 $0x7, v17;
	v18 =	vand.u32 $0xFFFFFFF0, v18  }
0x241: {  	v17 =	vor.u32 v17, v18  }
0x242: {  	v18 =	vperm.xlane v17, v2;
	_ =	sdelay $0x1  }
0x243: {  	v19 =	vperm.xlane v17, v1;
	v18 =	vadd.s32 v3, v18;
	_ =	sdelay $0x1  }
0x244: {  	v53 =	vperm.xlane v17, v4;
	v19 =	vadd.s32 v3, v19;
	_ =	sdelay $0x1  }
0x245: {  	s24 =	simm.s32 $0x6A00;
	v54 =	vperm.xlane v17, v5;
	v20 =	vadd.s32 v3, v53  }
0x246: {  	[tilespmem:s24], [sflag:$0x4] =	stream.indirect_vreg.gather [hbm4b:s9+s3], $0x80, v18, vm0, $0xb8;
	[tilespmem:$0x1EA00] =	vst v63  }
0x247: {  	v55 =	vperm.xlane v17, v6;
	v18 =	vadd.s32 v3, v54;
	s24 =	simm.s32 $0x6A80  }
0x248: {  	[tilespmem:s24], [sflag:$0x4] =	stream.indirect_vreg.gather [hbm4b:s9+s3], $0x80, v19, vm0, $0xb8;
	[tilespmem:$0x1EA00] =	vst v63  }
0x249: {  	v56 =	vperm.xlane v17, v7;
	v19 =	vadd.s32 v3, v55;
	s24 =	simm.s32 $0x6B00  }
0x24a: {  	[tilespmem:s24], [sflag:$0x4] =	stream.indirect_vreg.gather [hbm4b:s9+s3], $0x80, v20, vm0, $0xb8;
	[tilespmem:$0x1EA00] =	vst v63  }
0x24b: {  	v58 =	vperm.xlane v17, v8;
	v57 =	vadd.s32 v3, v56;
	s24 =	simm.s32 $0x6B80  }
0x24c: {  	[tilespmem:s24], [sflag:$0x4] =	stream.indirect_vreg.gather [hbm4b:s9+s3], $0x80, v18, vm0, $0xb8;
	[tilespmem:$0x1EA00] =	vst v63  }
0x24d: {  	v59 =	vperm.xlane v17, v0;
	v18 =	vadd.s32 v3, v58;
	s24 =	simm.s32 $0x6C00  }
0x24e: {  	[tilespmem:s24], [sflag:$0x4] =	stream.indirect_vreg.gather [hbm4b:s9+s3], $0x80, v19, vm0, $0xb8;
	[tilespmem:$0x1EA00] =	vst v63  }
0x24f: {  	v60 =	vperm.xlane v17, v9;
	v19 =	vadd.s32 v3, v59;
	s24 =	simm.s32 $0x6C80  }
0x250: {  	[tilespmem:s24], [sflag:$0x4] =	stream.indirect_vreg.gather [hbm4b:s9+s3], $0x80, v57, vm0, $0xb8;
	[tilespmem:$0x1EA00] =	vst v63  }
0x251: {  	v62 =	vperm.xlane v17, v10;
	v61 =	vadd.s32 v3, v60;
	s24 =	simm.s32 $0x6D00  }
0x252: {  	[tilespmem:s24], [sflag:$0x4] =	stream.indirect_vreg.gather [hbm4b:s9+s3], $0x80, v18, vm0, $0xb8;
	[tilespmem:$0x1EA00] =	vst v63  }
0x253: {  	v63 =	vperm.xlane v17, v11;
	v18 =	vadd.s32 v3, v62;
	s24 =	simm.s32 $0x6D80  }
0x254: {  	[tilespmem:s24], [sflag:$0x4] =	stream.indirect_vreg.gather [hbm4b:s9+s3], $0x80, v19, vm0, $0xb8;
	[tilespmem:$0x1EA00] =	vst v63  }
0x255: {  	v24 =	vperm.xlane v17, v12;
	v19 =	vadd.s32 v3, v63;
	s24 =	simm.s32 $0x6E00  }
0x256: {  	[tilespmem:s24], [sflag:$0x4] =	stream.indirect_vreg.gather [hbm4b:s9+s3], $0x80, v61, vm0, $0xb8;
	[tilespmem:$0x1EA00] =	vst v63  }
0x257: {  	v26 =	vperm.xlane v17, v13;
	v25 =	vadd.s32 v3, v24;
	s24 =	simm.s32 $0x6E80  }
0x258: {  	[tilespmem:s24], [sflag:$0x4] =	stream.indirect_vreg.gather [hbm4b:s9+s3], $0x80, v18, vm0, $0xb8;
	[tilespmem:$0x1EA00] =	vst v63  }
0x259: {  	v27 =	vperm.xlane v17, v14;
	v18 =	vadd.s32 v3, v26;
	s24 =	simm.s32 $0x6F00  }
0x25a: {  	[tilespmem:s24], [sflag:$0x4] =	stream.indirect_vreg.gather [hbm4b:s9+s3], $0x80, v19, vm0, $0xb8;
	[tilespmem:$0x1EA00] =	vst v63  }
0x25b: {  	v28 =	vperm.xlane v17, v15;
	v19 =	vadd.s32 v3, v27;
	s24 =	simm.s32 $0x6F80  }
0x25c: {  	[tilespmem:s24], [sflag:$0x4] =	stream.indirect_vreg.gather [hbm4b:s9+s3], $0x80, v25, vm0, $0xb8;
	[tilespmem:$0x1EA00] =	vst v63  }
0x25d: {  	v17 =	vperm.xlane v17, v16;
	v29 =	vadd.s32 v3, v28;
	s24 =	simm.s32 $0x7000  }
0x25e: {  	[tilespmem:s24], [sflag:$0x4] =	stream.indirect_vreg.gather [hbm4b:s9+s3], $0x80, v18, vm0, $0xb8;
	[tilespmem:$0x1EA00] =	vst v63  }
0x25f: {  	v17 =	vadd.s32 v3, v17;
	s24 =	simm.s32 $0x7080  }
0x260: {  	[tilespmem:s24], [sflag:$0x4] =	stream.indirect_vreg.gather [hbm4b:s9+s3], $0x80, v19, vm0, $0xb8;
	[tilespmem:$0x1EA00] =	vst v63  }
0x261: {  	s24 =	simm.s32 $0x7100  }
0x262: {  	[tilespmem:s24], [sflag:$0x4] =	stream.indirect_vreg.gather [hbm4b:s9+s3], $0x80, v29, vm0, $0xb8;
	[tilespmem:$0x1EA00] =	vst v63  }
0x263: {  	s24 =	simm.s32 $0x7180  }
0x264: {  	[tilespmem:s24], [sflag:$0x4] =	stream.indirect_vreg.gather [hbm4b:s9+s3], $0x80, v17, vm0, $0xb8;
	[tilespmem:$0x1EA00] =	vst v63  }
0x265: {  	v17 =	vld [tilespmem:$0x160];
	_ =	sdelay $0x4  }
0x266: {  	v18 =	vshll.u32 v17, $0x1  }
0x267: {  	v17 =	vand.u32 $0x7, v17;
	v18 =	vand.u32 $0xFFFFFFF0, v18  }
0x268: {  	v17 =	vor.u32 v17, v18  }
0x269: {  	v18 =	vperm.xlane v17, v2;
	_ =	sdelay $0x1  }
0x26a: {  	v19 =	vperm.xlane v17, v1;
	v18 =	vadd.s32 v3, v18;
	_ =	sdelay $0x1  }
0x26b: {  	v30 =	vperm.xlane v17, v4;
	v19 =	vadd.s32 v3, v19;
	_ =	sdelay $0x1  }
0x26c: {  	s24 =	simm.s32 $0x7200;
	v31 =	vperm.xlane v17, v5;
	v20 =	vadd.s32 v3, v30  }
0x26d: {  	[tilespmem:s24], [sflag:$0x4] =	stream.indirect_vreg.gather [hbm4b:s9+s3], $0x80, v18, vm0, $0xb8;
	[tilespmem:$0x1EA00] =	vst v63  }
0x26e: {  	v32 =	vperm.xlane v17, v6;
	v18 =	vadd.s32 v3, v31;
	s24 =	simm.s32 $0x7280  }
0x26f: {  	[tilespmem:s24], [sflag:$0x4] =	stream.indirect_vreg.gather [hbm4b:s9+s3], $0x80, v19, vm0, $0xb8;
	[tilespmem:$0x1EA00] =	vst v63  }
0x270: {  	v33 =	vperm.xlane v17, v7;
	v19 =	vadd.s32 v3, v32;
	s24 =	simm.s32 $0x7300  }
0x271: {  	[tilespmem:s24], [sflag:$0x4] =	stream.indirect_vreg.gather [hbm4b:s9+s3], $0x80, v20, vm0, $0xb8;
	[tilespmem:$0x1EA00] =	vst v63  }
0x272: {  	v35 =	vperm.xlane v17, v8;
	v34 =	vadd.s32 v3, v33;
	s24 =	simm.s32 $0x7380  }
0x273: {  	[tilespmem:s24], [sflag:$0x4] =	stream.indirect_vreg.gather [hbm4b:s9+s3], $0x80, v18, vm0, $0xb8;
	[tilespmem:$0x1EA00] =	vst v63  }
0x274: {  	v36 =	vperm.xlane v17, v0;
	v18 =	vadd.s32 v3, v35;
	s24 =	simm.s32 $0x7400  }
0x275: {  	[tilespmem:s24], [sflag:$0x4] =	stream.indirect_vreg.gather [hbm4b:s9+s3], $0x80, v19, vm0, $0xb8;
	[tilespmem:$0x1EA00] =	vst v63  }
0x276: {  	v37 =	vperm.xlane v17, v9;
	v19 =	vadd.s32 v3, v36;
	s24 =	simm.s32 $0x7480  }
0x277: {  	[tilespmem:s24], [sflag:$0x4] =	stream.indirect_vreg.gather [hbm4b:s9+s3], $0x80, v34, vm0, $0xb8;
	[tilespmem:$0x1EA00] =	vst v63  }
0x278: {  	v39 =	vperm.xlane v17, v10;
	v38 =	vadd.s32 v3, v37;
	s24 =	simm.s32 $0x7500  }
0x279: {  	[tilespmem:s24], [sflag:$0x4] =	stream.indirect_vreg.gather [hbm4b:s9+s3], $0x80, v18, vm0, $0xb8;
	[tilespmem:$0x1EA00] =	vst v63  }
0x27a: {  	v40 =	vperm.xlane v17, v11;
	v18 =	vadd.s32 v3, v39;
	s24 =	simm.s32 $0x7580  }
0x27b: {  	[tilespmem:s24], [sflag:$0x4] =	stream.indirect_vreg.gather [hbm4b:s9+s3], $0x80, v19, vm0, $0xb8;
	[tilespmem:$0x1EA00] =	vst v63  }
0x27c: {  	v41 =	vperm.xlane v17, v12;
	v19 =	vadd.s32 v3, v40;
	s24 =	simm.s32 $0x7600  }
0x27d: {  	[tilespmem:s24], [sflag:$0x4] =	stream.indirect_vreg.gather [hbm4b:s9+s3], $0x80, v38, vm0, $0xb8;
	[tilespmem:$0x1EA00] =	vst v63  }
0x27e: {  	v43 =	vperm.xlane v17, v13;
	v42 =	vadd.s32 v3, v41;
	s24 =	simm.s32 $0x7680  }
0x27f: {  	[tilespmem:s24], [sflag:$0x4] =	stream.indirect_vreg.gather [hbm4b:s9+s3], $0x80, v18, vm0, $0xb8;
	[tilespmem:$0x1EA00] =	vst v63  }
0x280: {  	v44 =	vperm.xlane v17, v14;
	v18 =	vadd.s32 v3, v43;
	s24 =	simm.s32 $0x7700  }
0x281: {  	[tilespmem:s24], [sflag:$0x4] =	stream.indirect_vreg.gather [hbm4b:s9+s3], $0x80, v19, vm0, $0xb8;
	[tilespmem:$0x1EA00] =	vst v63  }
0x282: {  	v45 =	vperm.xlane v17, v15;
	v19 =	vadd.s32 v3, v44;
	s24 =	simm.s32 $0x7780  }
0x283: {  	[tilespmem:s24], [sflag:$0x4] =	stream.indirect_vreg.gather [hbm4b:s9+s3], $0x80, v42, vm0, $0xb8;
	[tilespmem:$0x1EA00] =	vst v63  }
0x284: {  	v17 =	vperm.xlane v17, v16;
	v46 =	vadd.s32 v3, v45;
	s24 =	simm.s32 $0x7800  }
0x285: {  	[tilespmem:s24], [sflag:$0x4] =	stream.indirect_vreg.gather [hbm4b:s9+s3], $0x80, v18, vm0, $0xb8;
	[tilespmem:$0x1EA00] =	vst v63  }
0x286: {  	v17 =	vadd.s32 v3, v17;
	s24 =	simm.s32 $0x7880  }
0x287: {  	[tilespmem:s24], [sflag:$0x4] =	stream.indirect_vreg.gather [hbm4b:s9+s3], $0x80, v19, vm0, $0xb8;
	[tilespmem:$0x1EA00] =	vst v63  }
0x288: {  	s24 =	simm.s32 $0x7900  }
0x289: {  	[tilespmem:s24], [sflag:$0x4] =	stream.indirect_vreg.gather [hbm4b:s9+s3], $0x80, v46, vm0, $0xb8;
	[tilespmem:$0x1EA00] =	vst v63  }
0x28a: {  	s24 =	simm.s32 $0x7980  }
0x28b: {  	[tilespmem:s24], [sflag:$0x4] =	stream.indirect_vreg.gather [hbm4b:s9+s3], $0x80, v17, vm0, $0xb8;
	[tilespmem:$0x1EA00] =	vst v63  }
0x28c: {  	v17 =	vld [tilespmem:$0x170];
	_ =	sdelay $0x4  }
0x28d: {  	v18 =	vshll.u32 v17, $0x1  }
0x28e: {  	v17 =	vand.u32 $0x7, v17;
	v18 =	vand.u32 $0xFFFFFFF0, v18  }
0x28f: {  	v17 =	vor.u32 v17, v18  }
0x290: {  	v18 =	vperm.xlane v17, v2;
	_ =	sdelay $0x1  }
0x291: {  	v19 =	vperm.xlane v17, v1;
	v18 =	vadd.s32 v3, v18;
	_ =	sdelay $0x1  }
0x292: {  	v47 =	vperm.xlane v17, v4;
	v19 =	vadd.s32 v3, v19;
	_ =	sdelay $0x1  }
0x293: {  	v48 =	vperm.xlane v17, v5;
	v20 =	vadd.s32 v3, v47  }
0x294: {  	[tilespmem:s8], [sflag:$0x4] =	stream.indirect_vreg.gather [hbm4b:s9+s3], $0x80, v18, vm0, $0xb8;
	[tilespmem:$0x1EA00] =	vst v63  }
0x295: {  	v49 =	vperm.xlane v17, v6;
	v18 =	vadd.s32 v3, v48  }
0x296: {  	[tilespmem:s10], [sflag:$0x4] =	stream.indirect_vreg.gather [hbm4b:s9+s3], $0x80, v19, vm0, $0xb8;
	[tilespmem:$0x1EA00] =	vst v63  }
0x297: {  	v50 =	vperm.xlane v17, v7;
	v19 =	vadd.s32 v3, v49  }
0x298: {  	[tilespmem:s17], [sflag:$0x4] =	stream.indirect_vreg.gather [hbm4b:s9+s3], $0x80, v20, vm0, $0xb8;
	[tilespmem:$0x1EA00] =	vst v63  }
0x299: {  	s24 =	simm.s32 $0x7B80;
	v52 =	vperm.xlane v17, v8;
	v51 =	vadd.s32 v3, v50  }
0x29a: {  	[tilespmem:s24], [sflag:$0x4] =	stream.indirect_vreg.gather [hbm4b:s9+s3], $0x80, v18, vm0, $0xb8;
	[tilespmem:$0x1EA00] =	vst v63  }
0x29b: {  	v53 =	vperm.xlane v17, v0;
	v18 =	vadd.s32 v3, v52  }
0x29c: {  	[tilespmem:s5], [sflag:$0x4] =	stream.indirect_vreg.gather [hbm4b:s9+s3], $0x80, v19, vm0, $0xb8;
	[tilespmem:$0x1EA00] =	vst v63  }
0x29d: {  	v54 =	vperm.xlane v17, v9;
	v19 =	vadd.s32 v3, v53  }
0x29e: {  	[tilespmem:s4], [sflag:$0x4] =	stream.indirect_vreg.gather [hbm4b:s9+s3], $0x80, v51, vm0, $0xb8;
	[tilespmem:$0x1EA00] =	vst v63  }
0x29f: {  	v56 =	vperm.xlane v17, v10;
	v55 =	vadd.s32 v3, v54  }
0x2a0: {  	[tilespmem:s1], [sflag:$0x4] =	stream.indirect_vreg.gather [hbm4b:s9+s3], $0x80, v18, vm0, $0xb8;
	[tilespmem:$0x1EA00] =	vst v63  }
0x2a1: {  	v57 =	vperm.xlane v17, v11;
	v18 =	vadd.s32 v3, v56  }
0x2a2: {  	[tilespmem:s31], [sflag:$0x4] =	stream.indirect_vreg.gather [hbm4b:s9+s3], $0x80, v19, vm0, $0xb8;
	[tilespmem:$0x1EA00] =	vst v63  }
0x2a3: {  	v58 =	vperm.xlane v17, v12;
	v19 =	vadd.s32 v3, v57  }
0x2a4: {  	[tilespmem:s0], [sflag:$0x4] =	stream.indirect_vreg.gather [hbm4b:s9+s3], $0x80, v55, vm0, $0xb8;
	[tilespmem:$0x1EA00] =	vst v63  }
0x2a5: {  	v60 =	vperm.xlane v17, v13;
	v59 =	vadd.s32 v3, v58  }
0x2a6: {  	[tilespmem:s30], [sflag:$0x4] =	stream.indirect_vreg.gather [hbm4b:s9+s3], $0x80, v18, vm0, $0xb8;
	[tilespmem:$0x1EA00] =	vst v63  }
0x2a7: {  	v61 =	vperm.xlane v17, v14;
	v18 =	vadd.s32 v3, v60  }
0x2a8: {  	[tilespmem:s29], [sflag:$0x4] =	stream.indirect_vreg.gather [hbm4b:s9+s3], $0x80, v19, vm0, $0xb8;
	[tilespmem:$0x1EA00] =	vst v63  }
0x2a9: {  	v62 =	vperm.xlane v17, v15;
	s24 =	simm.s32 $0x7F80;
	v19 =	vadd.s32 v3, v61  }
0x2aa: {  	[tilespmem:s24], [sflag:$0x4] =	stream.indirect_vreg.gather [hbm4b:s9+s3], $0x80, v59, vm0, $0xb8;
	[tilespmem:$0x1EA00] =	vst v63  }
0x2ab: {  	v17 =	vperm.xlane v17, v16;
	v63 =	vadd.s32 v3, v62;
	s24 =	simm.s32 $0x8000  }
0x2ac: {  	[tilespmem:s24], [sflag:$0x4] =	stream.indirect_vreg.gather [hbm4b:s9+s3], $0x80, v18, vm0, $0xb8;
	[tilespmem:$0x1EA00] =	vst v63  }
0x2ad: {  	v17 =	vadd.s32 v3, v17;
	s24 =	simm.s32 $0x8080  }
0x2ae: {  	[tilespmem:s24], [sflag:$0x4] =	stream.indirect_vreg.gather [hbm4b:s9+s3], $0x80, v19, vm0, $0xb8;
	[tilespmem:$0x1EA00] =	vst v63  }
0x2af: {  	s24 =	simm.s32 $0x8100  }
0x2b0: {  	[tilespmem:s24], [sflag:$0x4] =	stream.indirect_vreg.gather [hbm4b:s9+s3], $0x80, v63, vm0, $0xb8;
	[tilespmem:$0x1EA00] =	vst v63  }
0x2b1: {  	_ = 	snop  }
0x2b2: {  	[tilespmem:s7], [sflag:$0x4] =	stream.indirect_vreg.gather [hbm4b:s9+s3], $0x80, v17, vm0, $0xb8;
	[tilespmem:$0x1EA00] =	vst v63  }
0x2b3: {  	v17 =	vld [tilespmem:$0x80];
	_ =	sdelay $0x4  }
0x2b4: {  	(xrf1) =	vunique.msk.u32 $0xffff, v17;
	_ =	sdelay $0xd  }
0x2b5: {  	_, v18, vm1 =	vpop (xrf1);
	_ =	sdelay $0x3  }
0x2b6: {  	v18 =	vcvt.s32.f32 v18;
	_ =	sdelay $0x1  }
0x2b7: {  	[tilespmem:v17+s16+$0x0] =	vst.idx.add.f32.msk vm1, v18  }
0x2b8: {  	v17 =	vld [tilespmem:$0x90];
	_ =	sdelay $0x4  }
0x2b9: {  	(xrf1) =	vunique.msk.u32 $0xffff, v17;
	_ =	sdelay $0xd  }
0x2ba: {  	_, v18, vm1 =	vpop (xrf1);
	_ =	sdelay $0x3  }
0x2bb: {  	v18 =	vcvt.s32.f32 v18;
	_ =	sdelay $0x1  }
0x2bc: {  	[tilespmem:v17+s16+$0x0] =	vst.idx.add.f32.msk vm1, v18  }
0x2bd: {  	v17 =	vld [tilespmem:$0xA0];
	_ =	sdelay $0x4  }
0x2be: {  	(xrf1) =	vunique.msk.u32 $0xffff, v17;
	_ =	sdelay $0xd  }
0x2bf: {  	_, v18, vm1 =	vpop (xrf1);
	_ =	sdelay $0x3  }
0x2c0: {  	v18 =	vcvt.s32.f32 v18;
	_ =	sdelay $0x1  }
0x2c1: {  	[tilespmem:v17+s16+$0x0] =	vst.idx.add.f32.msk vm1, v18  }
0x2c2: {  	v17 =	vld [tilespmem:$0xB0];
	_ =	sdelay $0x4  }
0x2c3: {  	(xrf1) =	vunique.msk.u32 $0xffff, v17;
	_ =	sdelay $0xd  }
0x2c4: {  	_, v18, vm1 =	vpop (xrf1);
	_ =	sdelay $0x3  }
0x2c5: {  	v18 =	vcvt.s32.f32 v18;
	_ =	sdelay $0x1  }
0x2c6: {  	[tilespmem:v17+s16+$0x0] =	vst.idx.add.f32.msk vm1, v18  }
0x2c7: {  	v17 =	vld [tilespmem:$0xC0];
	_ =	sdelay $0x4  }
0x2c8: {  	(xrf1) =	vunique.msk.u32 $0xffff, v17;
	_ =	sdelay $0xd  }
0x2c9: {  	_, v18, vm1 =	vpop (xrf1);
	_ =	sdelay $0x3  }
0x2ca: {  	v18 =	vcvt.s32.f32 v18;
	_ =	sdelay $0x1  }
0x2cb: {  	[tilespmem:v17+s16+$0x0] =	vst.idx.add.f32.msk vm1, v18  }
0x2cc: {  	v17 =	vld [tilespmem:$0xD0];
	_ =	sdelay $0x4  }
0x2cd: {  	(xrf1) =	vunique.msk.u32 $0xffff, v17;
	_ =	sdelay $0xd  }
0x2ce: {  	_, v18, vm1 =	vpop (xrf1);
	_ =	sdelay $0x3  }
0x2cf: {  	v18 =	vcvt.s32.f32 v18;
	_ =	sdelay $0x1  }
0x2d0: {  	[tilespmem:v17+s16+$0x0] =	vst.idx.add.f32.msk vm1, v18  }
0x2d1: {  	v17 =	vld [tilespmem:$0xE0];
	_ =	sdelay $0x4  }
0x2d2: {  	(xrf1) =	vunique.msk.u32 $0xffff, v17;
	_ =	sdelay $0xd  }
0x2d3: {  	_, v18, vm1 =	vpop (xrf1);
	_ =	sdelay $0x3  }
0x2d4: {  	v18 =	vcvt.s32.f32 v18;
	_ =	sdelay $0x1  }
0x2d5: {  	[tilespmem:v17+s16+$0x0] =	vst.idx.add.f32.msk vm1, v18  }
0x2d6: {  	v17 =	vld [tilespmem:$0xF0];
	_ =	sdelay $0x4  }
0x2d7: {  	(xrf1) =	vunique.msk.u32 $0xffff, v17;
	_ =	sdelay $0xd  }
0x2d8: {  	_, v18, vm1 =	vpop (xrf1);
	_ =	sdelay $0x3  }
0x2d9: {  	v18 =	vcvt.s32.f32 v18;
	_ =	sdelay $0x1  }
0x2da: {  	[tilespmem:v17+s16+$0x0] =	vst.idx.add.f32.msk vm1, v18  }
0x2db: {  	_ =	swait.ge [sflag:s6], $0x4000  }
0x2dc: {  	p1 =	seq.s32 s22, $0x0;
	[sflag:s6] =	ssyncset.done $0x0  }
.Ltmp2:
0x2dd: {  	[sflag:s6] =	ssyncadd.s32 $0xFFFFC000;
	(pc) =	sbr.rel @p1 .LBB2_4-.Ltmp2, $4  }
0x2de: {  	[spmem:s2] =	stream.indirect.scatter.add.f32 [tilespmem:s19], [sflag:$0x5], $0x80, s14, s14, $0xb8;
	[tilespmem:$0x1EA00] =	vst v63  }
0x2df: {  	_ =	swait.ge [sflag:s15], $0x4000  }
0x2e0: {  	[sflag:s15] =	ssyncset.done $0x0  }
0x2e1: {  	[sflag:s15] =	ssyncadd.s32 $0xFFFFC000  }
0x2e2: {  	s23 =	sadd.s32 s22, s13  }
0x2e3: {  	s23 =	sadd.s32 $0xA00, s23  }
0x2e4: {  	[tilespmem:s3], [sflag:$0x1] =	stream.linear.gather [hbm4b:s23+s3], $0x100, $0x38;
	[tilespmem:$0x1EA00] =	vst v63  }
0x2e5: {  	_ =	swait.ge [sflag:s18], $0x100  }
0x2e6: {  	[sflag:s18] =	ssyncset.done $0x0  }
0x2e7: {  	[sflag:s18] =	ssyncadd.s32 $0xFFFFFF00  }
0x2e8: {  	v17 =	vld [tilespmem:$0x0];
	_ =	sdelay $0x4  }
0x2e9: {  	v18 =	vshll.u32 v17, $0x1  }
0x2ea: {  	v17 =	vand.u32 $0x7, v17;
	v18 =	vand.u32 $0xFFFFFFF0, v18  }
0x2eb: {  	v17 =	vor.u32 v17, v18  }
0x2ec: {  	v18 =	vperm.xlane v17, v2;
	_ =	sdelay $0x1  }
0x2ed: {  	v19 =	vperm.xlane v17, v1;
	v18 =	vadd.s32 v3, v18;
	_ =	sdelay $0x1  }
0x2ee: {  	v20 =	vperm.xlane v17, v4;
	v19 =	vadd.s32 v3, v19;
	_ =	sdelay $0x1  }
0x2ef: {  	v21 =	vperm.xlane v17, v5;
	v20 =	vadd.s32 v3, v20  }
0x2f0: {  	[tilespmem:s19], [sflag:$0x3] =	stream.indirect_vreg.gather [hbm4b:s9+s3], $0x80, v18, vm0, $0xb8;
	[tilespmem:$0x1EA00] =	vst v63  }
0x2f1: {  	v50 =	vperm.xlane v17, v6;
	v18 =	vadd.s32 v3, v21  }
0x2f2: {  	[tilespmem:s28], [sflag:$0x3] =	stream.indirect_vreg.gather [hbm4b:s9+s3], $0x80, v19, vm0, $0xb8;
	[tilespmem:$0x1EA00] =	vst v63  }
0x2f3: {  	s24 =	simm.s32 $0x300;
	v51 =	vperm.xlane v17, v7;
	v19 =	vadd.s32 v3, v50  }
0x2f4: {  	[tilespmem:s24], [sflag:$0x3] =	stream.indirect_vreg.gather [hbm4b:s9+s3], $0x80, v20, vm0, $0xb8;
	[tilespmem:$0x1EA00] =	vst v63  }
0x2f5: {  	v53 =	vperm.xlane v17, v8;
	v52 =	vadd.s32 v3, v51;
	s24 =	simm.s32 $0x380  }
0x2f6: {  	[tilespmem:s24], [sflag:$0x3] =	stream.indirect_vreg.gather [hbm4b:s9+s3], $0x80, v18, vm0, $0xb8;
	[tilespmem:$0x1EA00] =	vst v63  }
0x2f7: {  	v54 =	vperm.xlane v17, v0;
	v18 =	vadd.s32 v3, v53;
	s24 =	simm.s32 $0x400  }
0x2f8: {  	[tilespmem:s24], [sflag:$0x3] =	stream.indirect_vreg.gather [hbm4b:s9+s3], $0x80, v19, vm0, $0xb8;
	[tilespmem:$0x1EA00] =	vst v63  }
0x2f9: {  	v55 =	vperm.xlane v17, v9;
	v19 =	vadd.s32 v3, v54;
	s24 =	simm.s32 $0x480  }
0x2fa: {  	[tilespmem:s24], [sflag:$0x3] =	stream.indirect_vreg.gather [hbm4b:s9+s3], $0x80, v52, vm0, $0xb8;
	[tilespmem:$0x1EA00] =	vst v63  }
0x2fb: {  	v57 =	vperm.xlane v17, v10;
	v56 =	vadd.s32 v3, v55;
	s24 =	simm.s32 $0x500  }
0x2fc: {  	[tilespmem:s24], [sflag:$0x3] =	stream.indirect_vreg.gather [hbm4b:s9+s3], $0x80, v18, vm0, $0xb8;
	[tilespmem:$0x1EA00] =	vst v63  }
0x2fd: {  	v58 =	vperm.xlane v17, v11;
	v18 =	vadd.s32 v3, v57;
	s24 =	simm.s32 $0x580  }
0x2fe: {  	[tilespmem:s24], [sflag:$0x3] =	stream.indirect_vreg.gather [hbm4b:s9+s3], $0x80, v19, vm0, $0xb8;
	[tilespmem:$0x1EA00] =	vst v63  }
0x2ff: {  	v59 =	vperm.xlane v17, v12;
	v19 =	vadd.s32 v3, v58;
	s24 =	simm.s32 $0x600  }
0x300: {  	[tilespmem:s24], [sflag:$0x3] =	stream.indirect_vreg.gather [hbm4b:s9+s3], $0x80, v56, vm0, $0xb8;
	[tilespmem:$0x1EA00] =	vst v63  }
0x301: {  	v61 =	vperm.xlane v17, v13;
	v60 =	vadd.s32 v3, v59;
	s24 =	simm.s32 $0x680  }
0x302: {  	[tilespmem:s24], [sflag:$0x3] =	stream.indirect_vreg.gather [hbm4b:s9+s3], $0x80, v18, vm0, $0xb8;
	[tilespmem:$0x1EA00] =	vst v63  }
0x303: {  	v62 =	vperm.xlane v17, v14;
	v18 =	vadd.s32 v3, v61;
	s24 =	simm.s32 $0x700  }
0x304: {  	[tilespmem:s24], [sflag:$0x3] =	stream.indirect_vreg.gather [hbm4b:s9+s3], $0x80, v19, vm0, $0xb8;
	[tilespmem:$0x1EA00] =	vst v63  }
0x305: {  	v63 =	vperm.xlane v17, v15;
	v19 =	vadd.s32 v3, v62;
	s24 =	simm.s32 $0x780  }
0x306: {  	[tilespmem:s24], [sflag:$0x3] =	stream.indirect_vreg.gather [hbm4b:s9+s3], $0x80, v60, vm0, $0xb8;
	[tilespmem:$0x1EA00] =	vst v63  }
0x307: {  	v17 =	vperm.xlane v17, v16;
	v24 =	vadd.s32 v3, v63;
	s24 =	simm.s32 $0x800  }
0x308: {  	[tilespmem:s24], [sflag:$0x3] =	stream.indirect_vreg.gather [hbm4b:s9+s3], $0x80, v18, vm0, $0xb8;
	[tilespmem:$0x1EA00] =	vst v63  }
0x309: {  	v17 =	vadd.s32 v3, v17;
	s24 =	simm.s32 $0x880  }
0x30a: {  	[tilespmem:s24], [sflag:$0x3] =	stream.indirect_vreg.gather [hbm4b:s9+s3], $0x80, v19, vm0, $0xb8;
	[tilespmem:$0x1EA00] =	vst v63  }
0x30b: {  	s24 =	simm.s32 $0x900  }
0x30c: {  	[tilespmem:s24], [sflag:$0x3] =	stream.indirect_vreg.gather [hbm4b:s9+s3], $0x80, v24, vm0, $0xb8;
	[tilespmem:$0x1EA00] =	vst v63  }
0x30d: {  	s24 =	simm.s32 $0x980  }
0x30e: {  	[tilespmem:s24], [sflag:$0x3] =	stream.indirect_vreg.gather [hbm4b:s9+s3], $0x80, v17, vm0, $0xb8;
	[tilespmem:$0x1EA00] =	vst v63  }
0x30f: {  	v17 =	vld [tilespmem:$0x10];
	_ =	sdelay $0x4  }
0x310: {  	v18 =	vshll.u32 v17, $0x1  }
0x311: {  	v17 =	vand.u32 $0x7, v17;
	v18 =	vand.u32 $0xFFFFFFF0, v18  }
0x312: {  	v17 =	vor.u32 v17, v18  }
0x313: {  	v18 =	vperm.xlane v17, v2;
	_ =	sdelay $0x1  }
0x314: {  	v19 =	vperm.xlane v17, v1;
	v18 =	vadd.s32 v3, v18;
	_ =	sdelay $0x1  }
0x315: {  	v25 =	vperm.xlane v17, v4;
	v19 =	vadd.s32 v3, v19;
	_ =	sdelay $0x1  }
0x316: {  	s24 =	simm.s32 $0xA00;
	v26 =	vperm.xlane v17, v5;
	v20 =	vadd.s32 v3, v25  }
0x317: {  	[tilespmem:s24], [sflag:$0x3] =	stream.indirect_vreg.gather [hbm4b:s9+s3], $0x80, v18, vm0, $0xb8;
	[tilespmem:$0x1EA00] =	vst v63  }
0x318: {  	v27 =	vperm.xlane v17, v6;
	v18 =	vadd.s32 v3, v26;
	s24 =	simm.s32 $0xA80  }
0x319: {  	[tilespmem:s24], [sflag:$0x3] =	stream.indirect_vreg.gather [hbm4b:s9+s3], $0x80, v19, vm0, $0xb8;
	[tilespmem:$0x1EA00] =	vst v63  }
0x31a: {  	v28 =	vperm.xlane v17, v7;
	v19 =	vadd.s32 v3, v27;
	s24 =	simm.s32 $0xB00  }
0x31b: {  	[tilespmem:s24], [sflag:$0x3] =	stream.indirect_vreg.gather [hbm4b:s9+s3], $0x80, v20, vm0, $0xb8;
	[tilespmem:$0x1EA00] =	vst v63  }
0x31c: {  	v30 =	vperm.xlane v17, v8;
	v29 =	vadd.s32 v3, v28;
	s24 =	simm.s32 $0xB80  }
0x31d: {  	[tilespmem:s24], [sflag:$0x3] =	stream.indirect_vreg.gather [hbm4b:s9+s3], $0x80, v18, vm0, $0xb8;
	[tilespmem:$0x1EA00] =	vst v63  }
0x31e: {  	v31 =	vperm.xlane v17, v0;
	v18 =	vadd.s32 v3, v30;
	s24 =	simm.s32 $0xC00  }
0x31f: {  	[tilespmem:s24], [sflag:$0x3] =	stream.indirect_vreg.gather [hbm4b:s9+s3], $0x80, v19, vm0, $0xb8;
	[tilespmem:$0x1EA00] =	vst v63  }
0x320: {  	v32 =	vperm.xlane v17, v9;
	v19 =	vadd.s32 v3, v31;
	s24 =	simm.s32 $0xC80  }
0x321: {  	[tilespmem:s24], [sflag:$0x3] =	stream.indirect_vreg.gather [hbm4b:s9+s3], $0x80, v29, vm0, $0xb8;
	[tilespmem:$0x1EA00] =	vst v63  }
0x322: {  	v34 =	vperm.xlane v17, v10;
	v33 =	vadd.s32 v3, v32;
	s24 =	simm.s32 $0xD00  }
0x323: {  	[tilespmem:s24], [sflag:$0x3] =	stream.indirect_vreg.gather [hbm4b:s9+s3], $0x80, v18, vm0, $0xb8;
	[tilespmem:$0x1EA00] =	vst v63  }
0x324: {  	v35 =	vperm.xlane v17, v11;
	v18 =	vadd.s32 v3, v34;
	s24 =	simm.s32 $0xD80  }
0x325: {  	[tilespmem:s24], [sflag:$0x3] =	stream.indirect_vreg.gather [hbm4b:s9+s3], $0x80, v19, vm0, $0xb8;
	[tilespmem:$0x1EA00] =	vst v63  }
0x326: {  	v36 =	vperm.xlane v17, v12;
	v19 =	vadd.s32 v3, v35;
	s24 =	simm.s32 $0xE00  }
0x327: {  	[tilespmem:s24], [sflag:$0x3] =	stream.indirect_vreg.gather [hbm4b:s9+s3], $0x80, v33, vm0, $0xb8;
	[tilespmem:$0x1EA00] =	vst v63  }
0x328: {  	v38 =	vperm.xlane v17, v13;
	v37 =	vadd.s32 v3, v36;
	s24 =	simm.s32 $0xE80  }
0x329: {  	[tilespmem:s24], [sflag:$0x3] =	stream.indirect_vreg.gather [hbm4b:s9+s3], $0x80, v18, vm0, $0xb8;
	[tilespmem:$0x1EA00] =	vst v63  }
0x32a: {  	v39 =	vperm.xlane v17, v14;
	v18 =	vadd.s32 v3, v38;
	s24 =	simm.s32 $0xF00  }
0x32b: {  	[tilespmem:s24], [sflag:$0x3] =	stream.indirect_vreg.gather [hbm4b:s9+s3], $0x80, v19, vm0, $0xb8;
	[tilespmem:$0x1EA00] =	vst v63  }
0x32c: {  	v40 =	vperm.xlane v17, v15;
	v19 =	vadd.s32 v3, v39;
	s24 =	simm.s32 $0xF80  }
0x32d: {  	[tilespmem:s24], [sflag:$0x3] =	stream.indirect_vreg.gather [hbm4b:s9+s3], $0x80, v37, vm0, $0xb8;
	[tilespmem:$0x1EA00] =	vst v63  }
0x32e: {  	v17 =	vperm.xlane v17, v16;
	v41 =	vadd.s32 v3, v40;
	s24 =	simm.s32 $0x1000  }
0x32f: {  	[tilespmem:s24], [sflag:$0x3] =	stream.indirect_vreg.gather [hbm4b:s9+s3], $0x80, v18, vm0, $0xb8;
	[tilespmem:$0x1EA00] =	vst v63  }
0x330: {  	v17 =	vadd.s32 v3, v17;
	s24 =	simm.s32 $0x1080  }
0x331: {  	[tilespmem:s24], [sflag:$0x3] =	stream.indirect_vreg.gather [hbm4b:s9+s3], $0x80, v19, vm0, $0xb8;
	[tilespmem:$0x1EA00] =	vst v63  }
0x332: {  	s24 =	simm.s32 $0x1100  }
0x333: {  	[tilespmem:s24], [sflag:$0x3] =	stream.indirect_vreg.gather [hbm4b:s9+s3], $0x80, v41, vm0, $0xb8;
	[tilespmem:$0x1EA00] =	vst v63  }
0x334: {  	s24 =	simm.s32 $0x1180  }
0x335: {  	[tilespmem:s24], [sflag:$0x3] =	stream.indirect_vreg.gather [hbm4b:s9+s3], $0x80, v17, vm0, $0xb8;
	[tilespmem:$0x1EA00] =	vst v63  }
0x336: {  	v17 =	vld [tilespmem:$0x20];
	_ =	sdelay $0x4  }
0x337: {  	v18 =	vshll.u32 v17, $0x1  }
0x338: {  	v17 =	vand.u32 $0x7, v17;
	v18 =	vand.u32 $0xFFFFFFF0, v18  }
0x339: {  	v17 =	vor.u32 v17, v18  }
0x33a: {  	v18 =	vperm.xlane v17, v2;
	_ =	sdelay $0x1  }
0x33b: {  	v19 =	vperm.xlane v17, v1;
	v18 =	vadd.s32 v3, v18;
	_ =	sdelay $0x1  }
0x33c: {  	v42 =	vperm.xlane v17, v4;
	v19 =	vadd.s32 v3, v19;
	_ =	sdelay $0x1  }
0x33d: {  	s24 =	simm.s32 $0x1200;
	v43 =	vperm.xlane v17, v5;
	v20 =	vadd.s32 v3, v42  }
0x33e: {  	[tilespmem:s24], [sflag:$0x3] =	stream.indirect_vreg.gather [hbm4b:s9+s3], $0x80, v18, vm0, $0xb8;
	[tilespmem:$0x1EA00] =	vst v63  }
0x33f: {  	v44 =	vperm.xlane v17, v6;
	v18 =	vadd.s32 v3, v43;
	s24 =	simm.s32 $0x1280  }
0x340: {  	[tilespmem:s24], [sflag:$0x3] =	stream.indirect_vreg.gather [hbm4b:s9+s3], $0x80, v19, vm0, $0xb8;
	[tilespmem:$0x1EA00] =	vst v63  }
0x341: {  	v45 =	vperm.xlane v17, v7;
	v19 =	vadd.s32 v3, v44;
	s24 =	simm.s32 $0x1300  }
0x342: {  	[tilespmem:s24], [sflag:$0x3] =	stream.indirect_vreg.gather [hbm4b:s9+s3], $0x80, v20, vm0, $0xb8;
	[tilespmem:$0x1EA00] =	vst v63  }
0x343: {  	v47 =	vperm.xlane v17, v8;
	v46 =	vadd.s32 v3, v45;
	s24 =	simm.s32 $0x1380  }
0x344: {  	[tilespmem:s24], [sflag:$0x3] =	stream.indirect_vreg.gather [hbm4b:s9+s3], $0x80, v18, vm0, $0xb8;
	[tilespmem:$0x1EA00] =	vst v63  }
0x345: {  	v48 =	vperm.xlane v17, v0;
	v18 =	vadd.s32 v3, v47;
	s24 =	simm.s32 $0x1400  }
0x346: {  	[tilespmem:s24], [sflag:$0x3] =	stream.indirect_vreg.gather [hbm4b:s9+s3], $0x80, v19, vm0, $0xb8;
	[tilespmem:$0x1EA00] =	vst v63  }
0x347: {  	v49 =	vperm.xlane v17, v9;
	v19 =	vadd.s32 v3, v48;
	s24 =	simm.s32 $0x1480  }
0x348: {  	[tilespmem:s24], [sflag:$0x3] =	stream.indirect_vreg.gather [hbm4b:s9+s3], $0x80, v46, vm0, $0xb8;
	[tilespmem:$0x1EA00] =	vst v63  }
0x349: {  	v51 =	vperm.xlane v17, v10;
	v50 =	vadd.s32 v3, v49;
	s24 =	simm.s32 $0x1500  }
0x34a: {  	[tilespmem:s24], [sflag:$0x3] =	stream.indirect_vreg.gather [hbm4b:s9+s3], $0x80, v18, vm0, $0xb8;
	[tilespmem:$0x1EA00] =	vst v63  }
0x34b: {  	v52 =	vperm.xlane v17, v11;
	v18 =	vadd.s32 v3, v51;
	s24 =	simm.s32 $0x1580  }
0x34c: {  	[tilespmem:s24], [sflag:$0x3] =	stream.indirect_vreg.gather [hbm4b:s9+s3], $0x80, v19, vm0, $0xb8;
	[tilespmem:$0x1EA00] =	vst v63  }
0x34d: {  	v53 =	vperm.xlane v17, v12;
	v19 =	vadd.s32 v3, v52;
	s24 =	simm.s32 $0x1600  }
0x34e: {  	[tilespmem:s24], [sflag:$0x3] =	stream.indirect_vreg.gather [hbm4b:s9+s3], $0x80, v50, vm0, $0xb8;
	[tilespmem:$0x1EA00] =	vst v63  }
0x34f: {  	v55 =	vperm.xlane v17, v13;
	v54 =	vadd.s32 v3, v53;
	s24 =	simm.s32 $0x1680  }
0x350: {  	[tilespmem:s24], [sflag:$0x3] =	stream.indirect_vreg.gather [hbm4b:s9+s3], $0x80, v18, vm0, $0xb8;
	[tilespmem:$0x1EA00] =	vst v63  }
0x351: {  	v56 =	vperm.xlane v17, v14;
	v18 =	vadd.s32 v3, v55;
	s24 =	simm.s32 $0x1700  }
0x352: {  	[tilespmem:s24], [sflag:$0x3] =	stream.indirect_vreg.gather [hbm4b:s9+s3], $0x80, v19, vm0, $0xb8;
	[tilespmem:$0x1EA00] =	vst v63  }
0x353: {  	v57 =	vperm.xlane v17, v15;
	v19 =	vadd.s32 v3, v56;
	s24 =	simm.s32 $0x1780  }
0x354: {  	[tilespmem:s24], [sflag:$0x3] =	stream.indirect_vreg.gather [hbm4b:s9+s3], $0x80, v54, vm0, $0xb8;
	[tilespmem:$0x1EA00] =	vst v63  }
0x355: {  	v17 =	vperm.xlane v17, v16;
	v58 =	vadd.s32 v3, v57;
	s24 =	simm.s32 $0x1800  }
0x356: {  	[tilespmem:s24], [sflag:$0x3] =	stream.indirect_vreg.gather [hbm4b:s9+s3], $0x80, v18, vm0, $0xb8;
	[tilespmem:$0x1EA00] =	vst v63  }
0x357: {  	v17 =	vadd.s32 v3, v17;
	s24 =	simm.s32 $0x1880  }
0x358: {  	[tilespmem:s24], [sflag:$0x3] =	stream.indirect_vreg.gather [hbm4b:s9+s3], $0x80, v19, vm0, $0xb8;
	[tilespmem:$0x1EA00] =	vst v63  }
0x359: {  	s24 =	simm.s32 $0x1900  }
0x35a: {  	[tilespmem:s24], [sflag:$0x3] =	stream.indirect_vreg.gather [hbm4b:s9+s3], $0x80, v58, vm0, $0xb8;
	[tilespmem:$0x1EA00] =	vst v63  }
0x35b: {  	s24 =	simm.s32 $0x1980  }
0x35c: {  	[tilespmem:s24], [sflag:$0x3] =	stream.indirect_vreg.gather [hbm4b:s9+s3], $0x80, v17, vm0, $0xb8;
	[tilespmem:$0x1EA00] =	vst v63  }
0x35d: {  	v17 =	vld [tilespmem:$0x30];
	_ =	sdelay $0x4  }
0x35e: {  	v18 =	vshll.u32 v17, $0x1  }
0x35f: {  	v17 =	vand.u32 $0x7, v17;
	v18 =	vand.u32 $0xFFFFFFF0, v18  }
0x360: {  	v17 =	vor.u32 v17, v18  }
0x361: {  	v18 =	vperm.xlane v17, v2;
	_ =	sdelay $0x1  }
0x362: {  	v19 =	vperm.xlane v17, v1;
	v18 =	vadd.s32 v3, v18;
	_ =	sdelay $0x1  }
0x363: {  	v59 =	vperm.xlane v17, v4;
	v19 =	vadd.s32 v3, v19;
	_ =	sdelay $0x1  }
0x364: {  	s24 =	simm.s32 $0x1A00;
	v60 =	vperm.xlane v17, v5;
	v20 =	vadd.s32 v3, v59  }
0x365: {  	[tilespmem:s24], [sflag:$0x3] =	stream.indirect_vreg.gather [hbm4b:s9+s3], $0x80, v18, vm0, $0xb8;
	[tilespmem:$0x1EA00] =	vst v63  }
0x366: {  	v61 =	vperm.xlane v17, v6;
	v18 =	vadd.s32 v3, v60;
	s24 =	simm.s32 $0x1A80  }
0x367: {  	[tilespmem:s24], [sflag:$0x3] =	stream.indirect_vreg.gather [hbm4b:s9+s3], $0x80, v19, vm0, $0xb8;
	[tilespmem:$0x1EA00] =	vst v63  }
0x368: {  	v62 =	vperm.xlane v17, v7;
	v19 =	vadd.s32 v3, v61;
	s24 =	simm.s32 $0x1B00  }
0x369: {  	[tilespmem:s24], [sflag:$0x3] =	stream.indirect_vreg.gather [hbm4b:s9+s3], $0x80, v20, vm0, $0xb8;
	[tilespmem:$0x1EA00] =	vst v63  }
0x36a: {  	v24 =	vperm.xlane v17, v8;
	v63 =	vadd.s32 v3, v62;
	s24 =	simm.s32 $0x1B80  }
0x36b: {  	[tilespmem:s24], [sflag:$0x3] =	stream.indirect_vreg.gather [hbm4b:s9+s3], $0x80, v18, vm0, $0xb8;
	[tilespmem:$0x1EA00] =	vst v63  }
0x36c: {  	v25 =	vperm.xlane v17, v0;
	v18 =	vadd.s32 v3, v24;
	s24 =	simm.s32 $0x1C00  }
0x36d: {  	[tilespmem:s24], [sflag:$0x3] =	stream.indirect_vreg.gather [hbm4b:s9+s3], $0x80, v19, vm0, $0xb8;
	[tilespmem:$0x1EA00] =	vst v63  }
0x36e: {  	v26 =	vperm.xlane v17, v9;
	v19 =	vadd.s32 v3, v25;
	s24 =	simm.s32 $0x1C80  }
0x36f: {  	[tilespmem:s24], [sflag:$0x3] =	stream.indirect_vreg.gather [hbm4b:s9+s3], $0x80, v63, vm0, $0xb8;
	[tilespmem:$0x1EA00] =	vst v63  }
0x370: {  	v28 =	vperm.xlane v17, v10;
	v27 =	vadd.s32 v3, v26;
	s24 =	simm.s32 $0x1D00  }
0x371: {  	[tilespmem:s24], [sflag:$0x3] =	stream.indirect_vreg.gather [hbm4b:s9+s3], $0x80, v18, vm0, $0xb8;
	[tilespmem:$0x1EA00] =	vst v63  }
0x372: {  	v29 =	vperm.xlane v17, v11;
	v18 =	vadd.s32 v3, v28;
	s24 =	simm.s32 $0x1D80  }
0x373: {  	[tilespmem:s24], [sflag:$0x3] =	stream.indirect_vreg.gather [hbm4b:s9+s3], $0x80, v19, vm0, $0xb8;
	[tilespmem:$0x1EA00] =	vst v63  }
0x374: {  	v30 =	vperm.xlane v17, v12;
	v19 =	vadd.s32 v3, v29;
	s24 =	simm.s32 $0x1E00  }
0x375: {  	[tilespmem:s24], [sflag:$0x3] =	stream.indirect_vreg.gather [hbm4b:s9+s3], $0x80, v27, vm0, $0xb8;
	[tilespmem:$0x1EA00] =	vst v63  }
0x376: {  	v32 =	vperm.xlane v17, v13;
	v31 =	vadd.s32 v3, v30;
	s24 =	simm.s32 $0x1E80  }
0x377: {  	[tilespmem:s24], [sflag:$0x3] =	stream.indirect_vreg.gather [hbm4b:s9+s3], $0x80, v18, vm0, $0xb8;
	[tilespmem:$0x1EA00] =	vst v63  }
0x378: {  	v33 =	vperm.xlane v17, v14;
	v18 =	vadd.s32 v3, v32;
	s24 =	simm.s32 $0x1F00  }
0x379: {  	[tilespmem:s24], [sflag:$0x3] =	stream.indirect_vreg.gather [hbm4b:s9+s3], $0x80, v19, vm0, $0xb8;
	[tilespmem:$0x1EA00] =	vst v63  }
0x37a: {  	v34 =	vperm.xlane v17, v15;
	v19 =	vadd.s32 v3, v33;
	s24 =	simm.s32 $0x1F80  }
0x37b: {  	[tilespmem:s24], [sflag:$0x3] =	stream.indirect_vreg.gather [hbm4b:s9+s3], $0x80, v31, vm0, $0xb8;
	[tilespmem:$0x1EA00] =	vst v63  }
0x37c: {  	v17 =	vperm.xlane v17, v16;
	v35 =	vadd.s32 v3, v34;
	s24 =	simm.s32 $0x2000  }
0x37d: {  	[tilespmem:s24], [sflag:$0x3] =	stream.indirect_vreg.gather [hbm4b:s9+s3], $0x80, v18, vm0, $0xb8;
	[tilespmem:$0x1EA00] =	vst v63  }
0x37e: {  	v17 =	vadd.s32 v3, v17;
	s24 =	simm.s32 $0x2080  }
0x37f: {  	[tilespmem:s24], [sflag:$0x3] =	stream.indirect_vreg.gather [hbm4b:s9+s3], $0x80, v19, vm0, $0xb8;
	[tilespmem:$0x1EA00] =	vst v63  }
0x380: {  	s24 =	simm.s32 $0x2100  }
0x381: {  	[tilespmem:s24], [sflag:$0x3] =	stream.indirect_vreg.gather [hbm4b:s9+s3], $0x80, v35, vm0, $0xb8;
	[tilespmem:$0x1EA00] =	vst v63  }
0x382: {  	s24 =	simm.s32 $0x2180  }
0x383: {  	[tilespmem:s24], [sflag:$0x3] =	stream.indirect_vreg.gather [hbm4b:s9+s3], $0x80, v17, vm0, $0xb8;
	[tilespmem:$0x1EA00] =	vst v63  }
0x384: {  	v17 =	vld [tilespmem:$0x40];
	_ =	sdelay $0x4  }
0x385: {  	v18 =	vshll.u32 v17, $0x1  }
0x386: {  	v17 =	vand.u32 $0x7, v17;
	v18 =	vand.u32 $0xFFFFFFF0, v18  }
0x387: {  	v17 =	vor.u32 v17, v18  }
0x388: {  	v18 =	vperm.xlane v17, v2;
	_ =	sdelay $0x1  }
0x389: {  	v19 =	vperm.xlane v17, v1;
	v18 =	vadd.s32 v3, v18;
	_ =	sdelay $0x1  }
0x38a: {  	v36 =	vperm.xlane v17, v4;
	v19 =	vadd.s32 v3, v19;
	_ =	sdelay $0x1  }
0x38b: {  	s24 =	simm.s32 $0x2200;
	v37 =	vperm.xlane v17, v5;
	v20 =	vadd.s32 v3, v36  }
0x38c: {  	[tilespmem:s24], [sflag:$0x3] =	stream.indirect_vreg.gather [hbm4b:s9+s3], $0x80, v18, vm0, $0xb8;
	[tilespmem:$0x1EA00] =	vst v63  }
0x38d: {  	v38 =	vperm.xlane v17, v6;
	v18 =	vadd.s32 v3, v37;
	s24 =	simm.s32 $0x2280  }
0x38e: {  	[tilespmem:s24], [sflag:$0x3] =	stream.indirect_vreg.gather [hbm4b:s9+s3], $0x80, v19, vm0, $0xb8;
	[tilespmem:$0x1EA00] =	vst v63  }
0x38f: {  	v39 =	vperm.xlane v17, v7;
	v19 =	vadd.s32 v3, v38;
	s24 =	simm.s32 $0x2300  }
0x390: {  	[tilespmem:s24], [sflag:$0x3] =	stream.indirect_vreg.gather [hbm4b:s9+s3], $0x80, v20, vm0, $0xb8;
	[tilespmem:$0x1EA00] =	vst v63  }
0x391: {  	v41 =	vperm.xlane v17, v8;
	v40 =	vadd.s32 v3, v39;
	s24 =	simm.s32 $0x2380  }
0x392: {  	[tilespmem:s24], [sflag:$0x3] =	stream.indirect_vreg.gather [hbm4b:s9+s3], $0x80, v18, vm0, $0xb8;
	[tilespmem:$0x1EA00] =	vst v63  }
0x393: {  	v42 =	vperm.xlane v17, v0;
	v18 =	vadd.s32 v3, v41;
	s24 =	simm.s32 $0x2400  }
0x394: {  	[tilespmem:s24], [sflag:$0x3] =	stream.indirect_vreg.gather [hbm4b:s9+s3], $0x80, v19, vm0, $0xb8;
	[tilespmem:$0x1EA00] =	vst v63  }
0x395: {  	v43 =	vperm.xlane v17, v9;
	v19 =	vadd.s32 v3, v42;
	s24 =	simm.s32 $0x2480  }
0x396: {  	[tilespmem:s24], [sflag:$0x3] =	stream.indirect_vreg.gather [hbm4b:s9+s3], $0x80, v40, vm0, $0xb8;
	[tilespmem:$0x1EA00] =	vst v63  }
0x397: {  	v45 =	vperm.xlane v17, v10;
	v44 =	vadd.s32 v3, v43;
	s24 =	simm.s32 $0x2500  }
0x398: {  	[tilespmem:s24], [sflag:$0x3] =	stream.indirect_vreg.gather [hbm4b:s9+s3], $0x80, v18, vm0, $0xb8;
	[tilespmem:$0x1EA00] =	vst v63  }
0x399: {  	v46 =	vperm.xlane v17, v11;
	v18 =	vadd.s32 v3, v45;
	s24 =	simm.s32 $0x2580  }
0x39a: {  	[tilespmem:s24], [sflag:$0x3] =	stream.indirect_vreg.gather [hbm4b:s9+s3], $0x80, v19, vm0, $0xb8;
	[tilespmem:$0x1EA00] =	vst v63  }
0x39b: {  	v47 =	vperm.xlane v17, v12;
	v19 =	vadd.s32 v3, v46;
	s24 =	simm.s32 $0x2600  }
0x39c: {  	[tilespmem:s24], [sflag:$0x3] =	stream.indirect_vreg.gather [hbm4b:s9+s3], $0x80, v44, vm0, $0xb8;
	[tilespmem:$0x1EA00] =	vst v63  }
0x39d: {  	v49 =	vperm.xlane v17, v13;
	v48 =	vadd.s32 v3, v47;
	s24 =	simm.s32 $0x2680  }
0x39e: {  	[tilespmem:s24], [sflag:$0x3] =	stream.indirect_vreg.gather [hbm4b:s9+s3], $0x80, v18, vm0, $0xb8;
	[tilespmem:$0x1EA00] =	vst v63  }
0x39f: {  	v50 =	vperm.xlane v17, v14;
	v18 =	vadd.s32 v3, v49;
	s24 =	simm.s32 $0x2700  }
0x3a0: {  	[tilespmem:s24], [sflag:$0x3] =	stream.indirect_vreg.gather [hbm4b:s9+s3], $0x80, v19, vm0, $0xb8;
	[tilespmem:$0x1EA00] =	vst v63  }
0x3a1: {  	v51 =	vperm.xlane v17, v15;
	v19 =	vadd.s32 v3, v50;
	s24 =	simm.s32 $0x2780  }
0x3a2: {  	[tilespmem:s24], [sflag:$0x3] =	stream.indirect_vreg.gather [hbm4b:s9+s3], $0x80, v48, vm0, $0xb8;
	[tilespmem:$0x1EA00] =	vst v63  }
0x3a3: {  	v17 =	vperm.xlane v17, v16;
	v52 =	vadd.s32 v3, v51;
	s24 =	simm.s32 $0x2800  }
0x3a4: {  	[tilespmem:s24], [sflag:$0x3] =	stream.indirect_vreg.gather [hbm4b:s9+s3], $0x80, v18, vm0, $0xb8;
	[tilespmem:$0x1EA00] =	vst v63  }
0x3a5: {  	v17 =	vadd.s32 v3, v17;
	s24 =	simm.s32 $0x2880  }
0x3a6: {  	[tilespmem:s24], [sflag:$0x3] =	stream.indirect_vreg.gather [hbm4b:s9+s3], $0x80, v19, vm0, $0xb8;
	[tilespmem:$0x1EA00] =	vst v63  }
0x3a7: {  	s24 =	simm.s32 $0x2900  }
0x3a8: {  	[tilespmem:s24], [sflag:$0x3] =	stream.indirect_vreg.gather [hbm4b:s9+s3], $0x80, v52, vm0, $0xb8;
	[tilespmem:$0x1EA00] =	vst v63  }
0x3a9: {  	s24 =	simm.s32 $0x2980  }
0x3aa: {  	[tilespmem:s24], [sflag:$0x3] =	stream.indirect_vreg.gather [hbm4b:s9+s3], $0x80, v17, vm0, $0xb8;
	[tilespmem:$0x1EA00] =	vst v63  }
0x3ab: {  	v17 =	vld [tilespmem:$0x50];
	_ =	sdelay $0x4  }
0x3ac: {  	v18 =	vshll.u32 v17, $0x1  }
0x3ad: {  	v17 =	vand.u32 $0x7, v17;
	v18 =	vand.u32 $0xFFFFFFF0, v18  }
0x3ae: {  	v17 =	vor.u32 v17, v18  }
0x3af: {  	v18 =	vperm.xlane v17, v2;
	_ =	sdelay $0x1  }
0x3b0: {  	v19 =	vperm.xlane v17, v1;
	v18 =	vadd.s32 v3, v18;
	_ =	sdelay $0x1  }
0x3b1: {  	v53 =	vperm.xlane v17, v4;
	v19 =	vadd.s32 v3, v19;
	_ =	sdelay $0x1  }
0x3b2: {  	s24 =	simm.s32 $0x2A00;
	v54 =	vperm.xlane v17, v5;
	v20 =	vadd.s32 v3, v53  }
0x3b3: {  	[tilespmem:s24], [sflag:$0x3] =	stream.indirect_vreg.gather [hbm4b:s9+s3], $0x80, v18, vm0, $0xb8;
	[tilespmem:$0x1EA00] =	vst v63  }
0x3b4: {  	v55 =	vperm.xlane v17, v6;
	v18 =	vadd.s32 v3, v54;
	s24 =	simm.s32 $0x2A80  }
0x3b5: {  	[tilespmem:s24], [sflag:$0x3] =	stream.indirect_vreg.gather [hbm4b:s9+s3], $0x80, v19, vm0, $0xb8;
	[tilespmem:$0x1EA00] =	vst v63  }
0x3b6: {  	v56 =	vperm.xlane v17, v7;
	v19 =	vadd.s32 v3, v55;
	s24 =	simm.s32 $0x2B00  }
0x3b7: {  	[tilespmem:s24], [sflag:$0x3] =	stream.indirect_vreg.gather [hbm4b:s9+s3], $0x80, v20, vm0, $0xb8;
	[tilespmem:$0x1EA00] =	vst v63  }
0x3b8: {  	v58 =	vperm.xlane v17, v8;
	v57 =	vadd.s32 v3, v56;
	s24 =	simm.s32 $0x2B80  }
0x3b9: {  	[tilespmem:s24], [sflag:$0x3] =	stream.indirect_vreg.gather [hbm4b:s9+s3], $0x80, v18, vm0, $0xb8;
	[tilespmem:$0x1EA00] =	vst v63  }
0x3ba: {  	v59 =	vperm.xlane v17, v0;
	v18 =	vadd.s32 v3, v58;
	s24 =	simm.s32 $0x2C00  }
0x3bb: {  	[tilespmem:s24], [sflag:$0x3] =	stream.indirect_vreg.gather [hbm4b:s9+s3], $0x80, v19, vm0, $0xb8;
	[tilespmem:$0x1EA00] =	vst v63  }
0x3bc: {  	v60 =	vperm.xlane v17, v9;
	v19 =	vadd.s32 v3, v59;
	s24 =	simm.s32 $0x2C80  }
0x3bd: {  	[tilespmem:s24], [sflag:$0x3] =	stream.indirect_vreg.gather [hbm4b:s9+s3], $0x80, v57, vm0, $0xb8;
	[tilespmem:$0x1EA00] =	vst v63  }
0x3be: {  	v62 =	vperm.xlane v17, v10;
	v61 =	vadd.s32 v3, v60;
	s24 =	simm.s32 $0x2D00  }
0x3bf: {  	[tilespmem:s24], [sflag:$0x3] =	stream.indirect_vreg.gather [hbm4b:s9+s3], $0x80, v18, vm0, $0xb8;
	[tilespmem:$0x1EA00] =	vst v63  }
0x3c0: {  	v63 =	vperm.xlane v17, v11;
	v18 =	vadd.s32 v3, v62;
	s24 =	simm.s32 $0x2D80  }
0x3c1: {  	[tilespmem:s24], [sflag:$0x3] =	stream.indirect_vreg.gather [hbm4b:s9+s3], $0x80, v19, vm0, $0xb8;
	[tilespmem:$0x1EA00] =	vst v63  }
0x3c2: {  	v24 =	vperm.xlane v17, v12;
	v19 =	vadd.s32 v3, v63;
	s24 =	simm.s32 $0x2E00  }
0x3c3: {  	[tilespmem:s24], [sflag:$0x3] =	stream.indirect_vreg.gather [hbm4b:s9+s3], $0x80, v61, vm0, $0xb8;
	[tilespmem:$0x1EA00] =	vst v63  }
0x3c4: {  	v26 =	vperm.xlane v17, v13;
	v25 =	vadd.s32 v3, v24;
	s24 =	simm.s32 $0x2E80  }
0x3c5: {  	[tilespmem:s24], [sflag:$0x3] =	stream.indirect_vreg.gather [hbm4b:s9+s3], $0x80, v18, vm0, $0xb8;
	[tilespmem:$0x1EA00] =	vst v63  }
0x3c6: {  	v27 =	vperm.xlane v17, v14;
	v18 =	vadd.s32 v3, v26;
	s24 =	simm.s32 $0x2F00  }
0x3c7: {  	[tilespmem:s24], [sflag:$0x3] =	stream.indirect_vreg.gather [hbm4b:s9+s3], $0x80, v19, vm0, $0xb8;
	[tilespmem:$0x1EA00] =	vst v63  }
0x3c8: {  	v28 =	vperm.xlane v17, v15;
	v19 =	vadd.s32 v3, v27;
	s24 =	simm.s32 $0x2F80  }
0x3c9: {  	[tilespmem:s24], [sflag:$0x3] =	stream.indirect_vreg.gather [hbm4b:s9+s3], $0x80, v25, vm0, $0xb8;
	[tilespmem:$0x1EA00] =	vst v63  }
0x3ca: {  	v17 =	vperm.xlane v17, v16;
	v29 =	vadd.s32 v3, v28;
	s24 =	simm.s32 $0x3000  }
0x3cb: {  	[tilespmem:s24], [sflag:$0x3] =	stream.indirect_vreg.gather [hbm4b:s9+s3], $0x80, v18, vm0, $0xb8;
	[tilespmem:$0x1EA00] =	vst v63  }
0x3cc: {  	v17 =	vadd.s32 v3, v17;
	s24 =	simm.s32 $0x3080  }
0x3cd: {  	[tilespmem:s24], [sflag:$0x3] =	stream.indirect_vreg.gather [hbm4b:s9+s3], $0x80, v19, vm0, $0xb8;
	[tilespmem:$0x1EA00] =	vst v63  }
0x3ce: {  	s24 =	simm.s32 $0x3100  }
0x3cf: {  	[tilespmem:s24], [sflag:$0x3] =	stream.indirect_vreg.gather [hbm4b:s9+s3], $0x80, v29, vm0, $0xb8;
	[tilespmem:$0x1EA00] =	vst v63  }
0x3d0: {  	s24 =	simm.s32 $0x3180  }
0x3d1: {  	[tilespmem:s24], [sflag:$0x3] =	stream.indirect_vreg.gather [hbm4b:s9+s3], $0x80, v17, vm0, $0xb8;
	[tilespmem:$0x1EA00] =	vst v63  }
0x3d2: {  	v17 =	vld [tilespmem:$0x60];
	_ =	sdelay $0x4  }
0x3d3: {  	v18 =	vshll.u32 v17, $0x1  }
0x3d4: {  	v17 =	vand.u32 $0x7, v17;
	v18 =	vand.u32 $0xFFFFFFF0, v18  }
0x3d5: {  	v17 =	vor.u32 v17, v18  }
0x3d6: {  	v18 =	vperm.xlane v17, v2;
	_ =	sdelay $0x1  }
0x3d7: {  	v19 =	vperm.xlane v17, v1;
	v18 =	vadd.s32 v3, v18;
	_ =	sdelay $0x1  }
0x3d8: {  	v30 =	vperm.xlane v17, v4;
	v19 =	vadd.s32 v3, v19;
	_ =	sdelay $0x1  }
0x3d9: {  	s24 =	simm.s32 $0x3200;
	v31 =	vperm.xlane v17, v5;
	v20 =	vadd.s32 v3, v30  }
0x3da: {  	[tilespmem:s24], [sflag:$0x3] =	stream.indirect_vreg.gather [hbm4b:s9+s3], $0x80, v18, vm0, $0xb8;
	[tilespmem:$0x1EA00] =	vst v63  }
0x3db: {  	v32 =	vperm.xlane v17, v6;
	v18 =	vadd.s32 v3, v31;
	s24 =	simm.s32 $0x3280  }
0x3dc: {  	[tilespmem:s24], [sflag:$0x3] =	stream.indirect_vreg.gather [hbm4b:s9+s3], $0x80, v19, vm0, $0xb8;
	[tilespmem:$0x1EA00] =	vst v63  }
0x3dd: {  	v33 =	vperm.xlane v17, v7;
	v19 =	vadd.s32 v3, v32;
	s24 =	simm.s32 $0x3300  }
0x3de: {  	[tilespmem:s24], [sflag:$0x3] =	stream.indirect_vreg.gather [hbm4b:s9+s3], $0x80, v20, vm0, $0xb8;
	[tilespmem:$0x1EA00] =	vst v63  }
0x3df: {  	v35 =	vperm.xlane v17, v8;
	v34 =	vadd.s32 v3, v33;
	s24 =	simm.s32 $0x3380  }
0x3e0: {  	[tilespmem:s24], [sflag:$0x3] =	stream.indirect_vreg.gather [hbm4b:s9+s3], $0x80, v18, vm0, $0xb8;
	[tilespmem:$0x1EA00] =	vst v63  }
0x3e1: {  	v36 =	vperm.xlane v17, v0;
	v18 =	vadd.s32 v3, v35;
	s24 =	simm.s32 $0x3400  }
0x3e2: {  	[tilespmem:s24], [sflag:$0x3] =	stream.indirect_vreg.gather [hbm4b:s9+s3], $0x80, v19, vm0, $0xb8;
	[tilespmem:$0x1EA00] =	vst v63  }
0x3e3: {  	v37 =	vperm.xlane v17, v9;
	v19 =	vadd.s32 v3, v36;
	s24 =	simm.s32 $0x3480  }
0x3e4: {  	[tilespmem:s24], [sflag:$0x3] =	stream.indirect_vreg.gather [hbm4b:s9+s3], $0x80, v34, vm0, $0xb8;
	[tilespmem:$0x1EA00] =	vst v63  }
0x3e5: {  	v39 =	vperm.xlane v17, v10;
	v38 =	vadd.s32 v3, v37;
	s24 =	simm.s32 $0x3500  }
0x3e6: {  	[tilespmem:s24], [sflag:$0x3] =	stream.indirect_vreg.gather [hbm4b:s9+s3], $0x80, v18, vm0, $0xb8;
	[tilespmem:$0x1EA00] =	vst v63  }
0x3e7: {  	v40 =	vperm.xlane v17, v11;
	v18 =	vadd.s32 v3, v39;
	s24 =	simm.s32 $0x3580  }
0x3e8: {  	[tilespmem:s24], [sflag:$0x3] =	stream.indirect_vreg.gather [hbm4b:s9+s3], $0x80, v19, vm0, $0xb8;
	[tilespmem:$0x1EA00] =	vst v63  }
0x3e9: {  	v41 =	vperm.xlane v17, v12;
	v19 =	vadd.s32 v3, v40;
	s24 =	simm.s32 $0x3600  }
0x3ea: {  	[tilespmem:s24], [sflag:$0x3] =	stream.indirect_vreg.gather [hbm4b:s9+s3], $0x80, v38, vm0, $0xb8;
	[tilespmem:$0x1EA00] =	vst v63  }
0x3eb: {  	v43 =	vperm.xlane v17, v13;
	v42 =	vadd.s32 v3, v41;
	s24 =	simm.s32 $0x3680  }
0x3ec: {  	[tilespmem:s24], [sflag:$0x3] =	stream.indirect_vreg.gather [hbm4b:s9+s3], $0x80, v18, vm0, $0xb8;
	[tilespmem:$0x1EA00] =	vst v63  }
0x3ed: {  	v44 =	vperm.xlane v17, v14;
	v18 =	vadd.s32 v3, v43;
	s24 =	simm.s32 $0x3700  }
0x3ee: {  	[tilespmem:s24], [sflag:$0x3] =	stream.indirect_vreg.gather [hbm4b:s9+s3], $0x80, v19, vm0, $0xb8;
	[tilespmem:$0x1EA00] =	vst v63  }
0x3ef: {  	v45 =	vperm.xlane v17, v15;
	v19 =	vadd.s32 v3, v44;
	s24 =	simm.s32 $0x3780  }
0x3f0: {  	[tilespmem:s24], [sflag:$0x3] =	stream.indirect_vreg.gather [hbm4b:s9+s3], $0x80, v42, vm0, $0xb8;
	[tilespmem:$0x1EA00] =	vst v63  }
0x3f1: {  	v17 =	vperm.xlane v17, v16;
	v46 =	vadd.s32 v3, v45;
	s24 =	simm.s32 $0x3800  }
0x3f2: {  	[tilespmem:s24], [sflag:$0x3] =	stream.indirect_vreg.gather [hbm4b:s9+s3], $0x80, v18, vm0, $0xb8;
	[tilespmem:$0x1EA00] =	vst v63  }
0x3f3: {  	v17 =	vadd.s32 v3, v17;
	s24 =	simm.s32 $0x3880  }
0x3f4: {  	[tilespmem:s24], [sflag:$0x3] =	stream.indirect_vreg.gather [hbm4b:s9+s3], $0x80, v19, vm0, $0xb8;
	[tilespmem:$0x1EA00] =	vst v63  }
0x3f5: {  	s24 =	simm.s32 $0x3900  }
0x3f6: {  	[tilespmem:s24], [sflag:$0x3] =	stream.indirect_vreg.gather [hbm4b:s9+s3], $0x80, v46, vm0, $0xb8;
	[tilespmem:$0x1EA00] =	vst v63  }
0x3f7: {  	s24 =	simm.s32 $0x3980  }
0x3f8: {  	[tilespmem:s24], [sflag:$0x3] =	stream.indirect_vreg.gather [hbm4b:s9+s3], $0x80, v17, vm0, $0xb8;
	[tilespmem:$0x1EA00] =	vst v63  }
0x3f9: {  	v17 =	vld [tilespmem:$0x70];
	_ =	sdelay $0x4  }
0x3fa: {  	v18 =	vshll.u32 v17, $0x1  }
0x3fb: {  	v17 =	vand.u32 $0x7, v17;
	v18 =	vand.u32 $0xFFFFFFF0, v18  }
0x3fc: {  	v17 =	vor.u32 v17, v18  }
0x3fd: {  	v18 =	vperm.xlane v17, v2;
	_ =	sdelay $0x1  }
0x3fe: {  	v19 =	vperm.xlane v17, v1;
	v18 =	vadd.s32 v3, v18;
	_ =	sdelay $0x1  }
0x3ff: {  	v47 =	vperm.xlane v17, v4;
	v19 =	vadd.s32 v3, v19;
	_ =	sdelay $0x1  }
0x400: {  	s24 =	simm.s32 $0x3A00;
	v48 =	vperm.xlane v17, v5;
	v20 =	vadd.s32 v3, v47  }
0x401: {  	[tilespmem:s24], [sflag:$0x3] =	stream.indirect_vreg.gather [hbm4b:s9+s3], $0x80, v18, vm0, $0xb8;
	[tilespmem:$0x1EA00] =	vst v63  }
0x402: {  	v49 =	vperm.xlane v17, v6;
	v18 =	vadd.s32 v3, v48;
	s24 =	simm.s32 $0x3A80  }
0x403: {  	[tilespmem:s24], [sflag:$0x3] =	stream.indirect_vreg.gather [hbm4b:s9+s3], $0x80, v19, vm0, $0xb8;
	[tilespmem:$0x1EA00] =	vst v63  }
0x404: {  	v50 =	vperm.xlane v17, v7;
	v19 =	vadd.s32 v3, v49;
	s24 =	simm.s32 $0x3B00  }
0x405: {  	[tilespmem:s24], [sflag:$0x3] =	stream.indirect_vreg.gather [hbm4b:s9+s3], $0x80, v20, vm0, $0xb8;
	[tilespmem:$0x1EA00] =	vst v63  }
0x406: {  	v52 =	vperm.xlane v17, v8;
	v51 =	vadd.s32 v3, v50;
	s24 =	simm.s32 $0x3B80  }
0x407: {  	[tilespmem:s24], [sflag:$0x3] =	stream.indirect_vreg.gather [hbm4b:s9+s3], $0x80, v18, vm0, $0xb8;
	[tilespmem:$0x1EA00] =	vst v63  }
0x408: {  	v53 =	vperm.xlane v17, v0;
	v18 =	vadd.s32 v3, v52;
	s24 =	simm.s32 $0x3C00  }
0x409: {  	[tilespmem:s24], [sflag:$0x3] =	stream.indirect_vreg.gather [hbm4b:s9+s3], $0x80, v19, vm0, $0xb8;
	[tilespmem:$0x1EA00] =	vst v63  }
0x40a: {  	v54 =	vperm.xlane v17, v9;
	v19 =	vadd.s32 v3, v53;
	s24 =	simm.s32 $0x3C80  }
0x40b: {  	[tilespmem:s24], [sflag:$0x3] =	stream.indirect_vreg.gather [hbm4b:s9+s3], $0x80, v51, vm0, $0xb8;
	[tilespmem:$0x1EA00] =	vst v63  }
0x40c: {  	v56 =	vperm.xlane v17, v10;
	v55 =	vadd.s32 v3, v54;
	s24 =	simm.s32 $0x3D00  }
0x40d: {  	[tilespmem:s24], [sflag:$0x3] =	stream.indirect_vreg.gather [hbm4b:s9+s3], $0x80, v18, vm0, $0xb8;
	[tilespmem:$0x1EA00] =	vst v63  }
0x40e: {  	v57 =	vperm.xlane v17, v11;
	v18 =	vadd.s32 v3, v56;
	s24 =	simm.s32 $0x3D80  }
0x40f: {  	[tilespmem:s24], [sflag:$0x3] =	stream.indirect_vreg.gather [hbm4b:s9+s3], $0x80, v19, vm0, $0xb8;
	[tilespmem:$0x1EA00] =	vst v63  }
0x410: {  	v58 =	vperm.xlane v17, v12;
	v19 =	vadd.s32 v3, v57;
	s24 =	simm.s32 $0x3E00  }
0x411: {  	[tilespmem:s24], [sflag:$0x3] =	stream.indirect_vreg.gather [hbm4b:s9+s3], $0x80, v55, vm0, $0xb8;
	[tilespmem:$0x1EA00] =	vst v63  }
0x412: {  	v60 =	vperm.xlane v17, v13;
	v59 =	vadd.s32 v3, v58;
	s24 =	simm.s32 $0x3E80  }
0x413: {  	[tilespmem:s24], [sflag:$0x3] =	stream.indirect_vreg.gather [hbm4b:s9+s3], $0x80, v18, vm0, $0xb8;
	[tilespmem:$0x1EA00] =	vst v63  }
0x414: {  	v61 =	vperm.xlane v17, v14;
	v18 =	vadd.s32 v3, v60;
	s24 =	simm.s32 $0x3F00  }
0x415: {  	[tilespmem:s24], [sflag:$0x3] =	stream.indirect_vreg.gather [hbm4b:s9+s3], $0x80, v19, vm0, $0xb8;
	[tilespmem:$0x1EA00] =	vst v63  }
0x416: {  	v62 =	vperm.xlane v17, v15;
	v19 =	vadd.s32 v3, v61;
	s24 =	simm.s32 $0x3F80  }
0x417: {  	[tilespmem:s24], [sflag:$0x3] =	stream.indirect_vreg.gather [hbm4b:s9+s3], $0x80, v59, vm0, $0xb8;
	[tilespmem:$0x1EA00] =	vst v63  }
0x418: {  	v17 =	vperm.xlane v17, v16;
	v63 =	vadd.s32 v3, v62;
	s24 =	simm.s32 $0x4000  }
0x419: {  	[tilespmem:s24], [sflag:$0x3] =	stream.indirect_vreg.gather [hbm4b:s9+s3], $0x80, v18, vm0, $0xb8;
	[tilespmem:$0x1EA00] =	vst v63  }
0x41a: {  	v17 =	vadd.s32 v3, v17;
	s24 =	simm.s32 $0x4080  }
0x41b: {  	[tilespmem:s24], [sflag:$0x3] =	stream.indirect_vreg.gather [hbm4b:s9+s3], $0x80, v19, vm0, $0xb8;
	[tilespmem:$0x1EA00] =	vst v63  }
0x41c: {  	s24 =	simm.s32 $0x4100  }
0x41d: {  	[tilespmem:s24], [sflag:$0x3] =	stream.indirect_vreg.gather [hbm4b:s9+s3], $0x80, v63, vm0, $0xb8;
	[tilespmem:$0x1EA00] =	vst v63  }
0x41e: {  	s24 =	simm.s32 $0x4180  }
0x41f: {  	[tilespmem:s24], [sflag:$0x3] =	stream.indirect_vreg.gather [hbm4b:s9+s3], $0x80, v17, vm0, $0xb8;
	[tilespmem:$0x1EA00] =	vst v63  }
.LBB2_4:
0x420: {  	v17 =	vld [tilespmem:$0x180];
	_ =	sdelay $0x4  }
0x421: {  	(xrf1) =	vunique.msk.u32 $0xffff, v17;
	_ =	sdelay $0xd  }
0x422: {  	_, v18, vm1 =	vpop (xrf1);
	_ =	sdelay $0x3  }
0x423: {  	v18 =	vcvt.s32.f32 v18;
	_ =	sdelay $0x1  }
0x424: {  	[tilespmem:v17+s16+$0x0] =	vst.idx.add.f32.msk vm1, v18  }
0x425: {  	v17 =	vld [tilespmem:$0x190];
	_ =	sdelay $0x4  }
0x426: {  	(xrf1) =	vunique.msk.u32 $0xffff, v17;
	_ =	sdelay $0xd  }
0x427: {  	_, v18, vm1 =	vpop (xrf1);
	_ =	sdelay $0x3  }
0x428: {  	v18 =	vcvt.s32.f32 v18;
	_ =	sdelay $0x1  }
0x429: {  	[tilespmem:v17+s16+$0x0] =	vst.idx.add.f32.msk vm1, v18  }
0x42a: {  	v17 =	vld [tilespmem:$0x1A0];
	_ =	sdelay $0x4  }
0x42b: {  	(xrf1) =	vunique.msk.u32 $0xffff, v17;
	_ =	sdelay $0xd  }
0x42c: {  	_, v18, vm1 =	vpop (xrf1);
	_ =	sdelay $0x3  }
0x42d: {  	v18 =	vcvt.s32.f32 v18;
	_ =	sdelay $0x1  }
0x42e: {  	[tilespmem:v17+s16+$0x0] =	vst.idx.add.f32.msk vm1, v18  }
0x42f: {  	v17 =	vld [tilespmem:$0x1B0];
	_ =	sdelay $0x4  }
0x430: {  	(xrf1) =	vunique.msk.u32 $0xffff, v17;
	_ =	sdelay $0xd  }
0x431: {  	_, v18, vm1 =	vpop (xrf1);
	_ =	sdelay $0x3  }
0x432: {  	v18 =	vcvt.s32.f32 v18;
	_ =	sdelay $0x1  }
0x433: {  	[tilespmem:v17+s16+$0x0] =	vst.idx.add.f32.msk vm1, v18  }
0x434: {  	v17 =	vld [tilespmem:$0x1C0];
	_ =	sdelay $0x4  }
0x435: {  	(xrf1) =	vunique.msk.u32 $0xffff, v17;
	_ =	sdelay $0xd  }
0x436: {  	_, v18, vm1 =	vpop (xrf1);
	_ =	sdelay $0x3  }
0x437: {  	v18 =	vcvt.s32.f32 v18;
	_ =	sdelay $0x1  }
0x438: {  	[tilespmem:v17+s16+$0x0] =	vst.idx.add.f32.msk vm1, v18  }
0x439: {  	v17 =	vld [tilespmem:$0x1D0];
	_ =	sdelay $0x4  }
0x43a: {  	(xrf1) =	vunique.msk.u32 $0xffff, v17;
	_ =	sdelay $0xd  }
0x43b: {  	_, v18, vm1 =	vpop (xrf1);
	_ =	sdelay $0x3  }
0x43c: {  	v18 =	vcvt.s32.f32 v18;
	_ =	sdelay $0x1  }
0x43d: {  	[tilespmem:v17+s16+$0x0] =	vst.idx.add.f32.msk vm1, v18  }
0x43e: {  	v17 =	vld [tilespmem:$0x1E0];
	_ =	sdelay $0x4  }
0x43f: {  	(xrf1) =	vunique.msk.u32 $0xffff, v17;
	_ =	sdelay $0xd  }
0x440: {  	_, v18, vm1 =	vpop (xrf1);
	_ =	sdelay $0x3  }
0x441: {  	v18 =	vcvt.s32.f32 v18;
	_ =	sdelay $0x1  }
0x442: {  	[tilespmem:v17+s16+$0x0] =	vst.idx.add.f32.msk vm1, v18  }
0x443: {  	v17 =	vld [tilespmem:$0x1F0];
	_ =	sdelay $0x4  }
0x444: {  	(xrf1) =	vunique.msk.u32 $0xffff, v17;
	_ =	sdelay $0xd  }
0x445: {  	_, v18, vm1 =	vpop (xrf1);
	_ =	sdelay $0x3  }
0x446: {  	v18 =	vcvt.s32.f32 v18;
	_ =	sdelay $0x1  }
0x447: {  	[tilespmem:v17+s16+$0x0] =	vst.idx.add.f32.msk vm1, v18  }
0x448: {  	_ =	swait.ge [sflag:s20], $0x4000  }
0x449: {  	[sflag:s20] =	ssyncset.done $0x0  }
.Ltmp3:
0x44a: {  	[sflag:s20] =	ssyncadd.s32 $0xFFFFC000;
	(pc) =	sbr.rel @p1 .LBB2_6-.Ltmp3, $4  }
0x44b: {  	[spmem:s2] =	stream.indirect.scatter.add.f32 [tilespmem:s12], [sflag:$0x5], $0x80, s21, s14, $0xb8;
	[tilespmem:$0x1EA00] =	vst v63  }
0x44c: {  	_ =	swait.ge [sflag:s15], $0x4000  }
0x44d: {  	[sflag:s15] =	ssyncset.done $0x0  }
0x44e: {  	[sflag:s15] =	ssyncadd.s32 $0xFFFFC000  }
.Ltmp4:
0x44f: {  	(pc) =	sbr.rel .LBB2_2-.Ltmp4, $4  }
0x450: {  	_ = 	snop  }
0x451: {  	s23 =	sadd.s32 s22, s13  }
0x452: {  	s22 =	sadd.s32 $0x40, s22;
	s23 =	sadd.s32 $0xA20, s23  }
0x453: {  	[tilespmem:s26], [sflag:$0x2] =	stream.linear.gather [hbm4b:s23+s3], $0x100, $0x38;
	[tilespmem:$0x1EA00] =	vst v63  }
.LBB2_7:
0x454: {  	_ =	sfence.sel $0x180000  }
0x455: {  	[bflag:$0x0] =	sbarrier.arrive $0xFFFF  }
0x456: {  	_ =	strace $0x90000047  }
0x457: {  	s0 =	stileid.u32;
	[bflag:$0x2] =	sbarrier.arrive $0xFFFF  }
0x458: {  	p0 =	sne.s32 s0, $0x0;
	s0 =	rddreg [dreg:$0x4]  }
0x459: {  	s0 =	sadd.s32 @!p0 $0x100000, s0  }
0x45a: {  	[sflag:s0] =	ssyncadd.tile.s32 @!p0 $0x1;
	_ =	shalt  }
.Lfunc_end2:
_tile_overlayer_lowered:
.L_overlay_start_2:
0x45b: {  	(tag) =	ssettag $0x2  }
0x45c: {  	s0 =	rddreg [dreg:$0x0];
	s2 =	stileid.u32  }
0x45d: {  	s1 =	rddreg [dreg:$0x1];
	p0 =	sne.s32 s2, $0x0  }
0x45e: {  	s3 =	rddreg [dreg:$0x2];
	[bflag:$0x3] =	sbarrier.arrive $0xFFFF;
	s2 =	simm.s32 @!p0 $0x1C05  }
0x45f: {  	[timem:s3], [sflag:s2] =	dma.local @!p0 [hbm:s0], s1  }
0x460: {  	s0 =	simm.s32 @!p0 $0x5  }
0x461: {  	_ =	swait.ge @!p0 [sflag:s0], s1  }
0x462: {  	s1 =	ssub.s32 @!p0 $0x0, s1;
	[sflag:s0] =	ssyncset.done @!p0 $0x0  }
0x463: {  	[sflag:s0] =	ssyncadd.s32 @!p0 s1  }
0x464: {  	[bflag:$0x3] =	sbarrier.arrive $0xFFFF  }
0x465: {  	_ =	shalt  }

</sc_bundles>
